<compile_context>
chip_gen: v7x
topology: tpu7x:2x2x1
jax: 0.10.2.dev20260603
libtpu: 0.0.44.dev20260713+nightly
codegen_flags: <defaults>
</compile_context>

<pallas_src>
import functools

import jax
import jax.numpy as jnp
from jax import lax
from jax.experimental import pallas as pl
from jax.experimental.pallas import tpu as pltpu
from jax.experimental.pallas import tpu_sc as plsc

_NUM_USERS = 100000
_NC, _NS = 2, 16
_NW = _NC * _NS
_L = 16
_WCH = 124928


def _idx_body(lab3_hbm, uids_hbm, idx2_hbm,
              uids_v, idx1_v, ids_v, idx2_v, sem, bpw, dim):
    wid = lax.axis_index("s") * _NC + lax.axis_index("c")
    base = wid * bpw
    n3 = 3 * bpw
    nel = n3 * dim

    pltpu.sync_copy(uids_hbm.at[pl.ds(base, bpw)], uids_v)

    for j in range(3):
        for k in range(bpw // _L):
            p = j * bpw + k * _L
            u = uids_v[pl.ds(k * _L, _L)]
            idx1_v[pl.ds(p, _L)] = u + j * _NUM_USERS

    pltpu.async_copy(lab3_hbm.at[idx1_v], ids_v, sem).wait()

    three = jnp.full((_L,), 3, jnp.int32)
    iota = lax.iota(jnp.int32, _L)
    wvec = jnp.full((_L,), _WCH, jnp.int32)
    dconst = (lax.shift_right_logical(iota, 3) * (8 * _WCH)
              + lax.bitwise_and(iota, 7) * 128)

    def expand(k, _):
        pos = iota + k * _L
        b = lax.div(pos, three)
        j = lax.rem(pos, three)
        e = plsc.load_gather(ids_v, [j * bpw + b])
        ch = lax.div(e, wvec)
        r = lax.rem(e, wvec)
        s = (ch * (16 * _WCH)
             + lax.shift_left(lax.shift_right_logical(r, 7), 10)
             + lax.bitwise_and(r, 127))
        for m in range(_L):
            sv = lax.gather(
                s, jnp.full((_L, 1), m, jnp.int32),
                lax.GatherDimensionNumbers(
                    offset_dims=(), collapsed_slice_dims=(0,),
                    start_index_map=(0,)),
                (1,), mode=lax.GatherScatterMode.PROMISE_IN_BOUNDS)
            idx2_v[pl.ds(k * _L * _L + m * _L, _L)] = sv + dconst
        return _

    lax.fori_loop(0, n3 // _L, expand, 0)

    pltpu.sync_copy(idx2_v, idx2_hbm.at[pl.ds(wid * nel, nel)])


def _gather_body(embf_hbm, idx2_hbm, out_hbm, idx2_v, emb_v, sem, nel):
    wid = lax.axis_index("s") * _NC + lax.axis_index("c")
    pltpu.sync_copy(idx2_hbm.at[pl.ds(wid * nel, nel)], idx2_v)
    pltpu.async_copy(embf_hbm.at[idx2_v], emb_v, sem).wait()
    pltpu.sync_copy(emb_v, out_hbm.at[pl.ds(wid * nel, nel)])


def _retile_body(in_ref, out_ref):
    out_ref[...] = (in_ref[...]
                    .reshape(8, _WCH // 128, 128)
                    .swapaxes(0, 1)
                    .reshape(8 * _WCH // 128, 128))


def _retile_tc(emb_t):
    dim, vocab = emb_t.shape
    nch = (vocab + _WCH - 1) // _WCH
    rows = 8 * _WCH // 128
    return pl.pallas_call(
        _retile_body,
        grid=(dim // 8, nch),
        in_specs=[pl.BlockSpec((8, _WCH), lambda g, c: (g, c))],
        out_specs=pl.BlockSpec((rows, 128), lambda g, c: (c * (dim // 8) + g, 0)),
        out_shape=jax.ShapeDtypeStruct(((dim // 8) * nch * rows, 128),
                                       jnp.float32),
    )(emb_t)


@jax.jit
def kernel(uids, train_labels, item_embeddings):
    batch = uids.shape[0]
    dim = item_embeddings.shape[1]
    hist = train_labels.shape[1]
    bpw = batch // _NW
    nel = 3 * bpw * dim
    sc_params = pltpu.CompilerParams(
        needs_layout_passes=False, use_tc_tiling_on_sc=False)
    mesh = plsc.VectorSubcoreMesh(core_axis_name="c", subcore_axis_name="s")

    lab3 = train_labels.T[hist - 3:hist].reshape(-1)
    embf = _retile_tc(item_embeddings.T).reshape(-1)

    idx2 = pl.kernel(
        functools.partial(_idx_body, bpw=bpw, dim=dim),
        out_type=jax.ShapeDtypeStruct((3 * batch * dim,), jnp.int32),
        mesh=mesh,
        compiler_params=sc_params,
        scratch_types=[
            pltpu.VMEM((bpw,), jnp.int32),
            pltpu.VMEM((3 * bpw,), jnp.int32),
            pltpu.VMEM((3 * bpw,), jnp.int32),
            pltpu.VMEM((nel,), jnp.int32),
            pltpu.SemaphoreType.DMA,
        ],
    )(lab3, uids)

    out = pl.kernel(
        functools.partial(_gather_body, nel=nel),
        out_type=jax.ShapeDtypeStruct((3 * batch * dim,), jnp.float32),
        mesh=mesh,
        compiler_params=sc_params,
        scratch_types=[
            pltpu.VMEM((nel,), jnp.int32),
            pltpu.VMEM((nel,), jnp.float32),
            pltpu.SemaphoreType.DMA,
        ],
    )(embf, idx2)
    return out.reshape(batch, 3 * dim)

# --- scband reference (transcript-rebuilt; emitter-appended) ---
"""Pipeline reference for scband-embeds-51573967291074 (READ-ONLY COPY).

The authoritative reference and input builder live on the scoring server;
editing this copy changes nothing except your own understanding.
"""

import jax, jax.numpy as jnp
import numpy as np

NUM_USERS = 100000
HIST_LEN = 200
VOCAB = 1000000
EMBED_DIM = 16
BATCH = 16384


def setup_inputs(seed: int = 0) -> dict:
    key = jax.random.key(seed)
    k1, k2, k3 = jax.random.split(key, 3)
    uids = jax.random.randint(k1, (BATCH,), 0, NUM_USERS, dtype=jnp.int64 if jax.config.read('jax_enable_x64') else jnp.int32).astype(jnp.int32)
    train_labels = jax.random.randint(k2, (NUM_USERS, HIST_LEN), 0, VOCAB, dtype=jnp.int32)
    item_embeddings = jax.random.normal(k3, (VOCAB, EMBED_DIM), dtype=jnp.float32)
    return {"uids": uids, "train_labels": train_labels, "item_embeddings": item_embeddings}


def reference(uids, train_labels, item_embeddings):
    # For each uid: take that user's label sequence, keep the last 3 item ids,
    # gather their embeddings and flatten -> [B, 3*embed_dim].
    # (All sequences have equal length here, so pad_sequence+transpose == stack.)
    user_labels = jnp.take(train_labels, uids, axis=0)          # [B, hist_len]
    last3 = user_labels[:, -3:]                                 # [B, 3]
    emb = jnp.take(item_embeddings, last3, axis=0)              # [B, 3, d]
    return emb.reshape(emb.shape[0], -1)                        # [B, 3*d]

if __name__ == "__main__":
    import jax
    _d = setup_inputs()
    print(jax.jit(kernel)(*tuple(_d.values())))

</pallas_src>

<mosaic_0001>
#map = affine_map<(d0, d1) -> (0)>
module attributes {stable_mosaic.version = 14 : i64} {
  func.func @_idx_body(%arg0: i32, %arg1: i32, %arg2: memref<300000xi32, #tpu.memory_space<hbm>>, %arg3: memref<16384xi32, #tpu.memory_space<hbm>>, %arg4: memref<786432xi32, #tpu.memory_space<hbm>>, %arg5: memref<512xi32, #tpu.memory_space<vmem>>, %arg6: memref<1536xi32, #tpu.memory_space<vmem>>, %arg7: memref<1536xi32, #tpu.memory_space<vmem>>, %arg8: memref<24576xi32, #tpu.memory_space<vmem>>, %arg9: memref<!tpu.dma_semaphore, #tpu.memory_space<semaphore_mem>>) attributes {dimension_semantics = [#tpu.dimension_semantics<core_parallel>, #tpu.dimension_semantics<subcore_parallel>], iteration_bounds = array<i64: 2, 16>, scalar_prefetch = 0 : i64, scratch_operands = 5 : i64, tpu.core_type = #tpu.core_type<sc_vector_subcore>, window_params = [{transform_indices = #map}, {transform_indices = #map}, {transform_indices = #map}]} {
    %mul3A = arith.constant 2 : i32
    %mul3A_0 = arith.muli %arg1, %mul3A : i32
    %add3A = arith.addi %mul3A_0, %arg0 : i32
    %mul3A_1 = arith.constant 512 : i32
    %mul3A_2 = arith.muli %add3A, %mul3A_1 : i32
    "tpu.region"() ({
      %run_scoped3A = tpu.sem_alloc : memref<!tpu.dma_semaphore, #tpu.memory_space<semaphore_mem>>
      %dma_start3A_696 = tpu.memref_slice %arg3[%mul3A_2] : memref<16384xi32, #tpu.memory_space<hbm>> -> memref<512xi32, #tpu.memory_space<hbm>>
      %dma_start3A_697 = tpu.memref_slice %arg3[%mul3A_2] : memref<16384xi32, #tpu.memory_space<hbm>> -> memref<512xi32, #tpu.memory_space<hbm>>
      tpu.enqueue_dma source(%dma_start3A_697 : memref<512xi32, #tpu.memory_space<hbm>>) target(%arg5 : memref<512xi32, #tpu.memory_space<vmem>>) target_semaphore(%run_scoped3A : memref<!tpu.dma_semaphore, #tpu.memory_space<semaphore_mem>>)
      %dma_wait3A_698 = tpu.memref_slice %arg3[%mul3A_2] : memref<16384xi32, #tpu.memory_space<hbm>> -> memref<512xi32, #tpu.memory_space<hbm>>
      %dma_wait3A_699 = tpu.memref_slice %arg3[%mul3A_2] : memref<16384xi32, #tpu.memory_space<hbm>> -> memref<512xi32, #tpu.memory_space<hbm>>
      tpu.wait_dma2 semaphore(%run_scoped3A : memref<!tpu.dma_semaphore, #tpu.memory_space<semaphore_mem>>) src(%dma_wait3A_699 : memref<512xi32, #tpu.memory_space<hbm>>) dst(%arg5 : memref<512xi32, #tpu.memory_space<vmem>>)
      tpu.yield
    }) : () -> ()
    %get3A = arith.constant 0 : index
    %get3A_3 = tpu.vector_load %arg5[%get3A] {strides = array<i32>} : memref<512xi32, #tpu.memory_space<vmem>>, vector<16xi32>,
    %add3A_4 = arith.constant 0 : i32
    %add3A_5 = vector.broadcast %add3A_4 : i32 to vector<16xi32>
    %add3A_6 = arith.addi %get3A_3, %add3A_5 : vector<16xi32>
    %swap3A = arith.constant 0 : index
    %swap3A_7 = tpu.vector_load %arg6[%swap3A] {strides = array<i32>} : memref<1536xi32, #tpu.memory_space<vmem>>, vector<16xi32>,
    tpu.vector_store %arg6[%swap3A], %add3A_6 {strides = array<i32>} : memref<1536xi32, #tpu.memory_space<vmem>>, vector<16xi32>,
    %get3A_8 = arith.constant 16 : index
    %get3A_9 = tpu.vector_load %arg5[%get3A_8] {strides = array<i32>} : memref<512xi32, #tpu.memory_space<vmem>>, vector<16xi32>,
    %add3A_10 = arith.constant 0 : i32
    %add3A_11 = vector.broadcast %add3A_10 : i32 to vector<16xi32>
    %add3A_12 = arith.addi %get3A_9, %add3A_11 : vector<16xi32>
    %swap3A_13 = arith.constant 16 : index
    %swap3A_14 = tpu.vector_load %arg6[%swap3A_13] {strides = array<i32>} : memref<1536xi32, #tpu.memory_space<vmem>>, vector<16xi32>,
    tpu.vector_store %arg6[%swap3A_13], %add3A_12 {strides = array<i32>} : memref<1536xi32, #tpu.memory_space<vmem>>, vector<16xi32>,
    %get3A_15 = arith.constant 32 : index
    %get3A_16 = tpu.vector_load %arg5[%get3A_15] {strides = array<i32>} : memref<512xi32, #tpu.memory_space<vmem>>, vector<16xi32>,
    %add3A_17 = arith.constant 0 : i32
    %add3A_18 = vector.broadcast %add3A_17 : i32 to vector<16xi32>
    %add3A_19 = arith.addi %get3A_16, %add3A_18 : vector<16xi32>
    %swap3A_20 = arith.constant 32 : index
    %swap3A_21 = tpu.vector_load %arg6[%swap3A_20] {strides = array<i32>} : memref<1536xi32, #tpu.memory_space<vmem>>, vector<16xi32>,
    tpu.vector_store %arg6[%swap3A_20], %add3A_19 {strides = array<i32>} : memref<1536xi32, #tpu.memory_space<vmem>>, vector<16xi32>,
    %get3A_22 = arith.constant 48 : index
    %get3A_23 = tpu.vector_load %arg5[%get3A_22] {strides = array<i32>} : memref<512xi32, #tpu.memory_space<vmem>>, vector<16xi32>,
    %add3A_24 = arith.constant 0 : i32
    %add3A_25 = vector.broadcast %add3A_24 : i32 to vector<16xi32>
    %add3A_26 = arith.addi %get3A_23, %add3A_25 : vector<16xi32>
    %swap3A_27 = arith.constant 48 : index
    %swap3A_28 = tpu.vector_load %arg6[%swap3A_27] {strides = array<i32>} : memref<1536xi32, #tpu.memory_space<vmem>>, vector<16xi32>,
    tpu.vector_store %arg6[%swap3A_27], %add3A_26 {strides = array<i32>} : memref<1536xi32, #tpu.memory_space<vmem>>, vector<16xi32>,
    %get3A_29 = arith.constant 64 : index
    %get3A_30 = tpu.vector_load %arg5[%get3A_29] {strides = array<i32>} : memref<512xi32, #tpu.memory_space<vmem>>, vector<16xi32>,
    %add3A_31 = arith.constant 0 : i32
    %add3A_32 = vector.broadcast %add3A_31 : i32 to vector<16xi32>
    %add3A_33 = arith.addi %get3A_30, %add3A_32 : vector<16xi32>
    %swap3A_34 = arith.constant 64 : index
    %swap3A_35 = tpu.vector_load %arg6[%swap3A_34] {strides = array<i32>} : memref<1536xi32, #tpu.memory_space<vmem>>, vector<16xi32>,
    tpu.vector_store %arg6[%swap3A_34], %add3A_33 {strides = array<i32>} : memref<1536xi32, #tpu.memory_space<vmem>>, vector<16xi32>,
    %get3A_36 = arith.constant 80 : index
    %get3A_37 = tpu.vector_load %arg5[%get3A_36] {strides = array<i32>} : memref<512xi32, #tpu.memory_space<vmem>>, vector<16xi32>,
    %add3A_38 = arith.constant 0 : i32
    %add3A_39 = vector.broadcast %add3A_38 : i32 to vector<16xi32>
    %add3A_40 = arith.addi %get3A_37, %add3A_39 : vector<16xi32>
    %swap3A_41 = arith.constant 80 : index
    %swap3A_42 = tpu.vector_load %arg6[%swap3A_41] {strides = array<i32>} : memref<1536xi32, #tpu.memory_space<vmem>>, vector<16xi32>,
    tpu.vector_store %arg6[%swap3A_41], %add3A_40 {strides = array<i32>} : memref<1536xi32, #tpu.memory_space<vmem>>, vector<16xi32>,
    %get3A_43 = arith.constant 96 : index
    %get3A_44 = tpu.vector_load %arg5[%get3A_43] {strides = array<i32>} : memref<512xi32, #tpu.memory_space<vmem>>, vector<16xi32>,
    %add3A_45 = arith.constant 0 : i32
    %add3A_46 = vector.broadcast %add3A_45 : i32 to vector<16xi32>
    %add3A_47 = arith.addi %get3A_44, %add3A_46 : vector<16xi32>
    %swap3A_48 = arith.constant 96 : index
    %swap3A_49 = tpu.vector_load %arg6[%swap3A_48] {strides = array<i32>} : memref<1536xi32, #tpu.memory_space<vmem>>, vector<16xi32>,
    tpu.vector_store %arg6[%swap3A_48], %add3A_47 {strides = array<i32>} : memref<1536xi32, #tpu.memory_space<vmem>>, vector<16xi32>,
    %get3A_50 = arith.constant 112 : index
    %get3A_51 = tpu.vector_load %arg5[%get3A_50] {strides = array<i32>} : memref<512xi32, #tpu.memory_space<vmem>>, vector<16xi32>,
    %add3A_52 = arith.constant 0 : i32
    %add3A_53 = vector.broadcast %add3A_52 : i32 to vector<16xi32>
    %add3A_54 = arith.addi %get3A_51, %add3A_53 : vector<16xi32>
    %swap3A_55 = arith.constant 112 : index
    %swap3A_56 = tpu.vector_load %arg6[%swap3A_55] {strides = array<i32>} : memref<1536xi32, #tpu.memory_space<vmem>>, vector<16xi32>,
    tpu.vector_store %arg6[%swap3A_55], %add3A_54 {strides = array<i32>} : memref<1536xi32, #tpu.memory_space<vmem>>, vector<16xi32>,
    %get3A_57 = arith.constant 128 : index
    %get3A_58 = tpu.vector_load %arg5[%get3A_57] {strides = array<i32>} : memref<512xi32, #tpu.memory_space<vmem>>, vector<16xi32>,
    %add3A_59 = arith.constant 0 : i32
    %add3A_60 = vector.broadcast %add3A_59 : i32 to vector<16xi32>
    %add3A_61 = arith.addi %get3A_58, %add3A_60 : vector<16xi32>
    %swap3A_62 = arith.constant 128 : index
    %swap3A_63 = tpu.vector_load %arg6[%swap3A_62] {strides = array<i32>} : memref<1536xi32, #tpu.memory_space<vmem>>, vector<16xi32>,
    tpu.vector_store %arg6[%swap3A_62], %add3A_61 {strides = array<i32>} : memref<1536xi32, #tpu.memory_space<vmem>>, vector<16xi32>,
    %get3A_64 = arith.constant 144 : index
    %get3A_65 = tpu.vector_load %arg5[%get3A_64] {strides = array<i32>} : memref<512xi32, #tpu.memory_space<vmem>>, vector<16xi32>,
    %add3A_66 = arith.constant 0 : i32
    %add3A_67 = vector.broadcast %add3A_66 : i32 to vector<16xi32>
    %add3A_68 = arith.addi %get3A_65, %add3A_67 : vector<16xi32>
    %swap3A_69 = arith.constant 144 : index
    %swap3A_70 = tpu.vector_load %arg6[%swap3A_69] {strides = array<i32>} : memref<1536xi32, #tpu.memory_space<vmem>>, vector<16xi32>,
    tpu.vector_store %arg6[%swap3A_69], %add3A_68 {strides = array<i32>} : memref<1536xi32, #tpu.memory_space<vmem>>, vector<16xi32>,
    %get3A_71 = arith.constant 160 : index
    %get3A_72 = tpu.vector_load %arg5[%get3A_71] {strides = array<i32>} : memref<512xi32, #tpu.memory_space<vmem>>, vector<16xi32>,
    %add3A_73 = arith.constant 0 : i32
    %add3A_74 = vector.broadcast %add3A_73 : i32 to vector<16xi32>
    %add3A_75 = arith.addi %get3A_72, %add3A_74 : vector<16xi32>
    %swap3A_76 = arith.constant 160 : index
    %swap3A_77 = tpu.vector_load %arg6[%swap3A_76] {strides = array<i32>} : memref<1536xi32, #tpu.memory_space<vmem>>, vector<16xi32>,
    tpu.vector_store %arg6[%swap3A_76], %add3A_75 {strides = array<i32>} : memref<1536xi32, #tpu.memory_space<vmem>>, vector<16xi32>,
    %get3A_78 = arith.constant 176 : index
    %get3A_79 = tpu.vector_load %arg5[%get3A_78] {strides = array<i32>} : memref<512xi32, #tpu.memory_space<vmem>>, vector<16xi32>,
    %add3A_80 = arith.constant 0 : i32
    %add3A_81 = vector.broadcast %add3A_80 : i32 to vector<16xi32>
    %add3A_82 = arith.addi %get3A_79, %add3A_81 : vector<16xi32>
    %swap3A_83 = arith.constant 176 : index
    %swap3A_84 = tpu.vector_load %arg6[%swap3A_83] {strides = array<i32>} : memref<1536xi32, #tpu.memory_space<vmem>>, vector<16xi32>,
    tpu.vector_store %arg6[%swap3A_83], %add3A_82 {strides = array<i32>} : memref<1536xi32, #tpu.memory_space<vmem>>, vector<16xi32>,
    %get3A_85 = arith.constant 192 : index
    %get3A_86 = tpu.vector_load %arg5[%get3A_85] {strides = array<i32>} : memref<512xi32, #tpu.memory_space<vmem>>, vector<16xi32>,
    %add3A_87 = arith.constant 0 : i32
    %add3A_88 = vector.broadcast %add3A_87 : i32 to vector<16xi32>
    %add3A_89 = arith.addi %get3A_86, %add3A_88 : vector<16xi32>
    %swap3A_90 = arith.constant 192 : index
    %swap3A_91 = tpu.vector_load %arg6[%swap3A_90] {strides = array<i32>} : memref<1536xi32, #tpu.memory_space<vmem>>, vector<16xi32>,
    tpu.vector_store %arg6[%swap3A_90], %add3A_89 {strides = array<i32>} : memref<1536xi32, #tpu.memory_space<vmem>>, vector<16xi32>,
    %get3A_92 = arith.constant 208 : index
    %get3A_93 = tpu.vector_load %arg5[%get3A_92] {strides = array<i32>} : memref<512xi32, #tpu.memory_space<vmem>>, vector<16xi32>,
    %add3A_94 = arith.constant 0 : i32
    %add3A_95 = vector.broadcast %add3A_94 : i32 to vector<16xi32>
    %add3A_96 = arith.addi %get3A_93, %add3A_95 : vector<16xi32>
    %swap3A_97 = arith.constant 208 : index
    %swap3A_98 = tpu.vector_load %arg6[%swap3A_97] {strides = array<i32>} : memref<1536xi32, #tpu.memory_space<vmem>>, vector<16xi32>,
    tpu.vector_store %arg6[%swap3A_97], %add3A_96 {strides = array<i32>} : memref<1536xi32, #tpu.memory_space<vmem>>, vector<16xi32>,
    %get3A_99 = arith.constant 224 : index
    %get3A_100 = tpu.vector_load %arg5[%get3A_99] {strides = array<i32>} : memref<512xi32, #tpu.memory_space<vmem>>, vector<16xi32>,
    %add3A_101 = arith.constant 0 : i32
    %add3A_102 = vector.broadcast %add3A_101 : i32 to vector<16xi32>
    %add3A_103 = arith.addi %get3A_100, %add3A_102 : vector<16xi32>
    %swap3A_104 = arith.constant 224 : index
    %swap3A_105 = tpu.vector_load %arg6[%swap3A_104] {strides = array<i32>} : memref<1536xi32, #tpu.memory_space<vmem>>, vector<16xi32>,
    tpu.vector_store %arg6[%swap3A_104], %add3A_103 {strides = array<i32>} : memref<1536xi32, #tpu.memory_space<vmem>>, vector<16xi32>,
    %get3A_106 = arith.constant 240 : index
    %get3A_107 = tpu.vector_load %arg5[%get3A_106] {strides = array<i32>} : memref<512xi32, #tpu.memory_space<vmem>>, vector<16xi32>,
    %add3A_108 = arith.constant 0 : i32
    %add3A_109 = vector.broadcast %add3A_108 : i32 to vector<16xi32>
    %add3A_110 = arith.addi %get3A_107, %add3A_109 : vector<16xi32>
    %swap3A_111 = arith.constant 240 : index
    %swap3A_112 = tpu.vector_load %arg6[%swap3A_111] {strides = array<i32>} : memref<1536xi32, #tpu.memory_space<vmem>>, vector<16xi32>,
    tpu.vector_store %arg6[%swap3A_111], %add3A_110 {strides = array<i32>} : memref<1536xi32, #tpu.memory_space<vmem>>, vector<16xi32>,
    %get3A_113 = arith.constant 256 : index
    %get3A_114 = tpu.vector_load %arg5[%get3A_113] {strides = array<i32>} : memref<512xi32, #tpu.memory_space<vmem>>, vector<16xi32>,
    %add3A_115 = arith.constant 0 : i32
    %add3A_116 = vector.broadcast %add3A_115 : i32 to vector<16xi32>
    %add3A_117 = arith.addi %get3A_114, %add3A_116 : vector<16xi32>
    %swap3A_118 = arith.constant 256 : index
    %swap3A_119 = tpu.vector_load %arg6[%swap3A_118] {strides = array<i32>} : memref<1536xi32, #tpu.memory_space<vmem>>, vector<16xi32>,
    tpu.vector_store %arg6[%swap3A_118], %add3A_117 {strides = array<i32>} : memref<1536xi32, #tpu.memory_space<vmem>>, vector<16xi32>,
    %get3A_120 = arith.constant 272 : index
    %get3A_121 = tpu.vector_load %arg5[%get3A_120] {strides = array<i32>} : memref<512xi32, #tpu.memory_space<vmem>>, vector<16xi32>,
    %add3A_122 = arith.constant 0 : i32
    %add3A_123 = vector.broadcast %add3A_122 : i32 to vector<16xi32>
    %add3A_124 = arith.addi %get3A_121, %add3A_123 : vector<16xi32>
    %swap3A_125 = arith.constant 272 : index
    %swap3A_126 = tpu.vector_load %arg6[%swap3A_125] {strides = array<i32>} : memref<1536xi32, #tpu.memory_space<vmem>>, vector<16xi32>,
    tpu.vector_store %arg6[%swap3A_125], %add3A_124 {strides = array<i32>} : memref<1536xi32, #tpu.memory_space<vmem>>, vector<16xi32>,
    %get3A_127 = arith.constant 288 : index
    %get3A_128 = tpu.vector_load %arg5[%get3A_127] {strides = array<i32>} : memref<512xi32, #tpu.memory_space<vmem>>, vector<16xi32>,
    %add3A_129 = arith.constant 0 : i32
    %add3A_130 = vector.broadcast %add3A_129 : i32 to vector<16xi32>
    %add3A_131 = arith.addi %get3A_128, %add3A_130 : vector<16xi32>
    %swap3A_132 = arith.constant 288 : index
    %swap3A_133 = tpu.vector_load %arg6[%swap3A_132] {strides = array<i32>} : memref<1536xi32, #tpu.memory_space<vmem>>, vector<16xi32>,
    tpu.vector_store %arg6[%swap3A_132], %add3A_131 {strides = array<i32>} : memref<1536xi32, #tpu.memory_space<vmem>>, vector<16xi32>,
    %get3A_134 = arith.constant 304 : index
    %get3A_135 = tpu.vector_load %arg5[%get3A_134] {strides = array<i32>} : memref<512xi32, #tpu.memory_space<vmem>>, vector<16xi32>,
    %add3A_136 = arith.constant 0 : i32
    %add3A_137 = vector.broadcast %add3A_136 : i32 to vector<16xi32>
    %add3A_138 = arith.addi %get3A_135, %add3A_137 : vector<16xi32>
    %swap3A_139 = arith.constant 304 : index
    %swap3A_140 = tpu.vector_load %arg6[%swap3A_139] {strides = array<i32>} : memref<1536xi32, #tpu.memory_space<vmem>>, vector<16xi32>,
    tpu.vector_store %arg6[%swap3A_139], %add3A_138 {strides = array<i32>} : memref<1536xi32, #tpu.memory_space<vmem>>, vector<16xi32>,
    %get3A_141 = arith.constant 320 : index
    %get3A_142 = tpu.vector_load %arg5[%get3A_141] {strides = array<i32>} : memref<512xi32, #tpu.memory_space<vmem>>, vector<16xi32>,
    %add3A_143 = arith.constant 0 : i32
    %add3A_144 = vector.broadcast %add3A_143 : i32 to vector<16xi32>
    %add3A_145 = arith.addi %get3A_142, %add3A_144 : vector<16xi32>
    %swap3A_146 = arith.constant 320 : index
    %swap3A_147 = tpu.vector_load %arg6[%swap3A_146] {strides = array<i32>} : memref<1536xi32, #tpu.memory_space<vmem>>, vector<16xi32>,
    tpu.vector_store %arg6[%swap3A_146], %add3A_145 {strides = array<i32>} : memref<1536xi32, #tpu.memory_space<vmem>>, vector<16xi32>,
    %get3A_148 = arith.constant 336 : index
    %get3A_149 = tpu.vector_load %arg5[%get3A_148] {strides = array<i32>} : memref<512xi32, #tpu.memory_space<vmem>>, vector<16xi32>,
    %add3A_150 = arith.constant 0 : i32
    %add3A_151 = vector.broadcast %add3A_150 : i32 to vector<16xi32>
    %add3A_152 = arith.addi %get3A_149, %add3A_151 : vector<16xi32>
    %swap3A_153 = arith.constant 336 : index
    %swap3A_154 = tpu.vector_load %arg6[%swap3A_153] {strides = array<i32>} : memref<1536xi32, #tpu.memory_space<vmem>>, vector<16xi32>,
    tpu.vector_store %arg6[%swap3A_153], %add3A_152 {strides = array<i32>} : memref<1536xi32, #tpu.memory_space<vmem>>, vector<16xi32>,
    %get3A_155 = arith.constant 352 : index
    %get3A_156 = tpu.vector_load %arg5[%get3A_155] {strides = array<i32>} : memref<512xi32, #tpu.memory_space<vmem>>, vector<16xi32>,
    %add3A_157 = arith.constant 0 : i32
    %add3A_158 = vector.broadcast %add3A_157 : i32 to vector<16xi32>
    %add3A_159 = arith.addi %get3A_156, %add3A_158 : vector<16xi32>
    %swap3A_160 = arith.constant 352 : index
    %swap3A_161 = tpu.vector_load %arg6[%swap3A_160] {strides = array<i32>} : memref<1536xi32, #tpu.memory_space<vmem>>, vector<16xi32>,
    tpu.vector_store %arg6[%swap3A_160], %add3A_159 {strides = array<i32>} : memref<1536xi32, #tpu.memory_space<vmem>>, vector<16xi32>,
    %get3A_162 = arith.constant 368 : index
    %get3A_163 = tpu.vector_load %arg5[%get3A_162] {strides = array<i32>} : memref<512xi32, #tpu.memory_space<vmem>>, vector<16xi32>,
    %add3A_164 = arith.constant 0 : i32
    %add3A_165 = vector.broadcast %add3A_164 : i32 to vector<16xi32>
    %add3A_166 = arith.addi %get3A_163, %add3A_165 : vector<16xi32>
    %swap3A_167 = arith.constant 368 : index
    %swap3A_168 = tpu.vector_load %arg6[%swap3A_167] {strides = array<i32>} : memref<1536xi32, #tpu.memory_space<vmem>>, vector<16xi32>,
    tpu.vector_store %arg6[%swap3A_167], %add3A_166 {strides = array<i32>} : memref<1536xi32, #tpu.memory_space<vmem>>, vector<16xi32>,
    %get3A_169 = arith.constant 384 : index
    %get3A_170 = tpu.vector_load %arg5[%get3A_169] {strides = array<i32>} : memref<512xi32, #tpu.memory_space<vmem>>, vector<16xi32>,
    %add3A_171 = arith.constant 0 : i32
    %add3A_172 = vector.broadcast %add3A_171 : i32 to vector<16xi32>
    %add3A_173 = arith.addi %get3A_170, %add3A_172 : vector<16xi32>
    %swap3A_174 = arith.constant 384 : index
    %swap3A_175 = tpu.vector_load %arg6[%swap3A_174] {strides = array<i32>} : memref<1536xi32, #tpu.memory_space<vmem>>, vector<16xi32>,
    tpu.vector_store %arg6[%swap3A_174], %add3A_173 {strides = array<i32>} : memref<1536xi32, #tpu.memory_space<vmem>>, vector<16xi32>,
    %get3A_176 = arith.constant 400 : index
    %get3A_177 = tpu.vector_load %arg5[%get3A_176] {strides = array<i32>} : memref<512xi32, #tpu.memory_space<vmem>>, vector<16xi32>,
    %add3A_178 = arith.constant 0 : i32
    %add3A_179 = vector.broadcast %add3A_178 : i32 to vector<16xi32>
    %add3A_180 = arith.addi %get3A_177, %add3A_179 : vector<16xi32>
    %swap3A_181 = arith.constant 400 : index
    %swap3A_182 = tpu.vector_load %arg6[%swap3A_181] {strides = array<i32>} : memref<1536xi32, #tpu.memory_space<vmem>>, vector<16xi32>,
    tpu.vector_store %arg6[%swap3A_181], %add3A_180 {strides = array<i32>} : memref<1536xi32, #tpu.memory_space<vmem>>, vector<16xi32>,
    %get3A_183 = arith.constant 416 : index
    %get3A_184 = tpu.vector_load %arg5[%get3A_183] {strides = array<i32>} : memref<512xi32, #tpu.memory_space<vmem>>, vector<16xi32>,
    %add3A_185 = arith.constant 0 : i32
    %add3A_186 = vector.broadcast %add3A_185 : i32 to vector<16xi32>
    %add3A_187 = arith.addi %get3A_184, %add3A_186 : vector<16xi32>
    %swap3A_188 = arith.constant 416 : index
    %swap3A_189 = tpu.vector_load %arg6[%swap3A_188] {strides = array<i32>} : memref<1536xi32, #tpu.memory_space<vmem>>, vector<16xi32>,
    tpu.vector_store %arg6[%swap3A_188], %add3A_187 {strides = array<i32>} : memref<1536xi32, #tpu.memory_space<vmem>>, vector<16xi32>,
    %get3A_190 = arith.constant 432 : index
    %get3A_191 = tpu.vector_load %arg5[%get3A_190] {strides = array<i32>} : memref<512xi32, #tpu.memory_space<vmem>>, vector<16xi32>,
    %add3A_192 = arith.constant 0 : i32
    %add3A_193 = vector.broadcast %add3A_192 : i32 to vector<16xi32>
    %add3A_194 = arith.addi %get3A_191, %add3A_193 : vector<16xi32>
    %swap3A_195 = arith.constant 432 : index
    %swap3A_196 = tpu.vector_load %arg6[%swap3A_195] {strides = array<i32>} : memref<1536xi32, #tpu.memory_space<vmem>>, vector<16xi32>,
    tpu.vector_store %arg6[%swap3A_195], %add3A_194 {strides = array<i32>} : memref<1536xi32, #tpu.memory_space<vmem>>, vector<16xi32>,
    %get3A_197 = arith.constant 448 : index
    %get3A_198 = tpu.vector_load %arg5[%get3A_197] {strides = array<i32>} : memref<512xi32, #tpu.memory_space<vmem>>, vector<16xi32>,
    %add3A_199 = arith.constant 0 : i32
    %add3A_200 = vector.broadcast %add3A_199 : i32 to vector<16xi32>
    %add3A_201 = arith.addi %get3A_198, %add3A_200 : vector<16xi32>
    %swap3A_202 = arith.constant 448 : index
    %swap3A_203 = tpu.vector_load %arg6[%swap3A_202] {strides = array<i32>} : memref<1536xi32, #tpu.memory_space<vmem>>, vector<16xi32>,
    tpu.vector_store %arg6[%swap3A_202], %add3A_201 {strides = array<i32>} : memref<1536xi32, #tpu.memory_space<vmem>>, vector<16xi32>,
    %get3A_204 = arith.constant 464 : index
    %get3A_205 = tpu.vector_load %arg5[%get3A_204] {strides = array<i32>} : memref<512xi32, #tpu.memory_space<vmem>>, vector<16xi32>,
    %add3A_206 = arith.constant 0 : i32
    %add3A_207 = vector.broadcast %add3A_206 : i32 to vector<16xi32>
    %add3A_208 = arith.addi %get3A_205, %add3A_207 : vector<16xi32>
    %swap3A_209 = arith.constant 464 : index
    %swap3A_210 = tpu.vector_load %arg6[%swap3A_209] {strides = array<i32>} : memref<1536xi32, #tpu.memory_space<vmem>>, vector<16xi32>,
    tpu.vector_store %arg6[%swap3A_209], %add3A_208 {strides = array<i32>} : memref<1536xi32, #tpu.memory_space<vmem>>, vector<16xi32>,
    %get3A_211 = arith.constant 480 : index
    %get3A_212 = tpu.vector_load %arg5[%get3A_211] {strides = array<i32>} : memref<512xi32, #tpu.memory_space<vmem>>, vector<16xi32>,
    %add3A_213 = arith.constant 0 : i32
    %add3A_214 = vector.broadcast %add3A_213 : i32 to vector<16xi32>
    %add3A_215 = arith.addi %get3A_212, %add3A_214 : vector<16xi32>
    %swap3A_216 = arith.constant 480 : index
    %swap3A_217 = tpu.vector_load %arg6[%swap3A_216] {strides = array<i32>} : memref<1536xi32, #tpu.memory_space<vmem>>, vector<16xi32>,
    tpu.vector_store %arg6[%swap3A_216], %add3A_215 {strides = array<i32>} : memref<1536xi32, #tpu.memory_space<vmem>>, vector<16xi32>,
    %get3A_218 = arith.constant 496 : index
    %get3A_219 = tpu.vector_load %arg5[%get3A_218] {strides = array<i32>} : memref<512xi32, #tpu.memory_space<vmem>>, vector<16xi32>,
    %add3A_220 = arith.constant 0 : i32
    %add3A_221 = vector.broadcast %add3A_220 : i32 to vector<16xi32>
    %add3A_222 = arith.addi %get3A_219, %add3A_221 : vector<16xi32>
    %swap3A_223 = arith.constant 496 : index
    %swap3A_224 = tpu.vector_load %arg6[%swap3A_223] {strides = array<i32>} : memref<1536xi32, #tpu.memory_space<vmem>>, vector<16xi32>,
    tpu.vector_store %arg6[%swap3A_223], %add3A_222 {strides = array<i32>} : memref<1536xi32, #tpu.memory_space<vmem>>, vector<16xi32>,
    %get3A_225 = arith.constant 0 : index
    %get3A_226 = tpu.vector_load %arg5[%get3A_225] {strides = array<i32>} : memref<512xi32, #tpu.memory_space<vmem>>, vector<16xi32>,
    %add3A_227 = arith.constant 100000 : i32
    %add3A_228 = vector.broadcast %add3A_227 : i32 to vector<16xi32>
    %add3A_229 = arith.addi %get3A_226, %add3A_228 : vector<16xi32>
    %swap3A_230 = arith.constant 512 : index
    %swap3A_231 = tpu.vector_load %arg6[%swap3A_230] {strides = array<i32>} : memref<1536xi32, #tpu.memory_space<vmem>>, vector<16xi32>,
    tpu.vector_store %arg6[%swap3A_230], %add3A_229 {strides = array<i32>} : memref<1536xi32, #tpu.memory_space<vmem>>, vector<16xi32>,
    %get3A_232 = arith.constant 16 : index
    %get3A_233 = tpu.vector_load %arg5[%get3A_232] {strides = array<i32>} : memref<512xi32, #tpu.memory_space<vmem>>, vector<16xi32>,
    %add3A_234 = arith.constant 100000 : i32
    %add3A_235 = vector.broadcast %add3A_234 : i32 to vector<16xi32>
    %add3A_236 = arith.addi %get3A_233, %add3A_235 : vector<16xi32>
    %swap3A_237 = arith.constant 528 : index
    %swap3A_238 = tpu.vector_load %arg6[%swap3A_237] {strides = array<i32>} : memref<1536xi32, #tpu.memory_space<vmem>>, vector<16xi32>,
    tpu.vector_store %arg6[%swap3A_237], %add3A_236 {strides = array<i32>} : memref<1536xi32, #tpu.memory_space<vmem>>, vector<16xi32>,
    %get3A_239 = arith.constant 32 : index
    %get3A_240 = tpu.vector_load %arg5[%get3A_239] {strides = array<i32>} : memref<512xi32, #tpu.memory_space<vmem>>, vector<16xi32>,
    %add3A_241 = arith.constant 100000 : i32
    %add3A_242 = vector.broadcast %add3A_241 : i32 to vector<16xi32>
    %add3A_243 = arith.addi %get3A_240, %add3A_242 : vector<16xi32>
    %swap3A_244 = arith.constant 544 : index
    %swap3A_245 = tpu.vector_load %arg6[%swap3A_244] {strides = array<i32>} : memref<1536xi32, #tpu.memory_space<vmem>>, vector<16xi32>,
    tpu.vector_store %arg6[%swap3A_244], %add3A_243 {strides = array<i32>} : memref<1536xi32, #tpu.memory_space<vmem>>, vector<16xi32>,
    %get3A_246 = arith.constant 48 : index
    %get3A_247 = tpu.vector_load %arg5[%get3A_246] {strides = array<i32>} : memref<512xi32, #tpu.memory_space<vmem>>, vector<16xi32>,
    %add3A_248 = arith.constant 100000 : i32
    %add3A_249 = vector.broadcast %add3A_248 : i32 to vector<16xi32>
    %add3A_250 = arith.addi %get3A_247, %add3A_249 : vector<16xi32>
    %swap3A_251 = arith.constant 560 : index
    %swap3A_252 = tpu.vector_load %arg6[%swap3A_251] {strides = array<i32>} : memref<1536xi32, #tpu.memory_space<vmem>>, vector<16xi32>,
    tpu.vector_store %arg6[%swap3A_251], %add3A_250 {strides = array<i32>} : memref<1536xi32, #tpu.memory_space<vmem>>, vector<16xi32>,
    %get3A_253 = arith.constant 64 : index
    %get3A_254 = tpu.vector_load %arg5[%get3A_253] {strides = array<i32>} : memref<512xi32, #tpu.memory_space<vmem>>, vector<16xi32>,
    %add3A_255 = arith.constant 100000 : i32
    %add3A_256 = vector.broadcast %add3A_255 : i32 to vector<16xi32>
    %add3A_257 = arith.addi %get3A_254, %add3A_256 : vector<16xi32>
    %swap3A_258 = arith.constant 576 : index
    %swap3A_259 = tpu.vector_load %arg6[%swap3A_258] {strides = array<i32>} : memref<1536xi32, #tpu.memory_space<vmem>>, vector<16xi32>,
    tpu.vector_store %arg6[%swap3A_258], %add3A_257 {strides = array<i32>} : memref<1536xi32, #tpu.memory_space<vmem>>, vector<16xi32>,
    %get3A_260 = arith.constant 80 : index
    %get3A_261 = tpu.vector_load %arg5[%get3A_260] {strides = array<i32>} : memref<512xi32, #tpu.memory_space<vmem>>, vector<16xi32>,
    %add3A_262 = arith.constant 100000 : i32
    %add3A_263 = vector.broadcast %add3A_262 : i32 to vector<16xi32>
    %add3A_264 = arith.addi %get3A_261, %add3A_263 : vector<16xi32>
    %swap3A_265 = arith.constant 592 : index
    %swap3A_266 = tpu.vector_load %arg6[%swap3A_265] {strides = array<i32>} : memref<1536xi32, #tpu.memory_space<vmem>>, vector<16xi32>,
    tpu.vector_store %arg6[%swap3A_265], %add3A_264 {strides = array<i32>} : memref<1536xi32, #tpu.memory_space<vmem>>, vector<16xi32>,
    %get3A_267 = arith.constant 96 : index
    %get3A_268 = tpu.vector_load %arg5[%get3A_267] {strides = array<i32>} : memref<512xi32, #tpu.memory_space<vmem>>, vector<16xi32>,
    %add3A_269 = arith.constant 100000 : i32
    %add3A_270 = vector.broadcast %add3A_269 : i32 to vector<16xi32>
    %add3A_271 = arith.addi %get3A_268, %add3A_270 : vector<16xi32>
    %swap3A_272 = arith.constant 608 : index
    %swap3A_273 = tpu.vector_load %arg6[%swap3A_272] {strides = array<i32>} : memref<1536xi32, #tpu.memory_space<vmem>>, vector<16xi32>,
    tpu.vector_store %arg6[%swap3A_272], %add3A_271 {strides = array<i32>} : memref<1536xi32, #tpu.memory_space<vmem>>, vector<16xi32>,
    %get3A_274 = arith.constant 112 : index
    %get3A_275 = tpu.vector_load %arg5[%get3A_274] {strides = array<i32>} : memref<512xi32, #tpu.memory_space<vmem>>, vector<16xi32>,
    %add3A_276 = arith.constant 100000 : i32
    %add3A_277 = vector.broadcast %add3A_276 : i32 to vector<16xi32>
    %add3A_278 = arith.addi %get3A_275, %add3A_277 : vector<16xi32>
    %swap3A_279 = arith.constant 624 : index
    %swap3A_280 = tpu.vector_load %arg6[%swap3A_279] {strides = array<i32>} : memref<1536xi32, #tpu.memory_space<vmem>>, vector<16xi32>,
    tpu.vector_store %arg6[%swap3A_279], %add3A_278 {strides = array<i32>} : memref<1536xi32, #tpu.memory_space<vmem>>, vector<16xi32>,
    %get3A_281 = arith.constant 128 : index
    %get3A_282 = tpu.vector_load %arg5[%get3A_281] {strides = array<i32>} : memref<512xi32, #tpu.memory_space<vmem>>, vector<16xi32>,
    %add3A_283 = arith.constant 100000 : i32
    %add3A_284 = vector.broadcast %add3A_283 : i32 to vector<16xi32>
    %add3A_285 = arith.addi %get3A_282, %add3A_284 : vector<16xi32>
    %swap3A_286 = arith.constant 640 : index
    %swap3A_287 = tpu.vector_load %arg6[%swap3A_286] {strides = array<i32>} : memref<1536xi32, #tpu.memory_space<vmem>>, vector<16xi32>,
    tpu.vector_store %arg6[%swap3A_286], %add3A_285 {strides = array<i32>} : memref<1536xi32, #tpu.memory_space<vmem>>, vector<16xi32>,
    %get3A_288 = arith.constant 144 : index
    %get3A_289 = tpu.vector_load %arg5[%get3A_288] {strides = array<i32>} : memref<512xi32, #tpu.memory_space<vmem>>, vector<16xi32>,
    %add3A_290 = arith.constant 100000 : i32
    %add3A_291 = vector.broadcast %add3A_290 : i32 to vector<16xi32>
    %add3A_292 = arith.addi %get3A_289, %add3A_291 : vector<16xi32>
    %swap3A_293 = arith.constant 656 : index
    %swap3A_294 = tpu.vector_load %arg6[%swap3A_293] {strides = array<i32>} : memref<1536xi32, #tpu.memory_space<vmem>>, vector<16xi32>,
    tpu.vector_store %arg6[%swap3A_293], %add3A_292 {strides = array<i32>} : memref<1536xi32, #tpu.memory_space<vmem>>, vector<16xi32>,
    %get3A_295 = arith.constant 160 : index
    %get3A_296 = tpu.vector_load %arg5[%get3A_295] {strides = array<i32>} : memref<512xi32, #tpu.memory_space<vmem>>, vector<16xi32>,
    %add3A_297 = arith.constant 100000 : i32
    %add3A_298 = vector.broadcast %add3A_297 : i32 to vector<16xi32>
    %add3A_299 = arith.addi %get3A_296, %add3A_298 : vector<16xi32>
    %swap3A_300 = arith.constant 672 : index
    %swap3A_301 = tpu.vector_load %arg6[%swap3A_300] {strides = array<i32>} : memref<1536xi32, #tpu.memory_space<vmem>>, vector<16xi32>,
    tpu.vector_store %arg6[%swap3A_300], %add3A_299 {strides = array<i32>} : memref<1536xi32, #tpu.memory_space<vmem>>, vector<16xi32>,
    %get3A_302 = arith.constant 176 : index
    %get3A_303 = tpu.vector_load %arg5[%get3A_302] {strides = array<i32>} : memref<512xi32, #tpu.memory_space<vmem>>, vector<16xi32>,
    %add3A_304 = arith.constant 100000 : i32
    %add3A_305 = vector.broadcast %add3A_304 : i32 to vector<16xi32>
    %add3A_306 = arith.addi %get3A_303, %add3A_305 : vector<16xi32>
    %swap3A_307 = arith.constant 688 : index
    %swap3A_308 = tpu.vector_load %arg6[%swap3A_307] {strides = array<i32>} : memref<1536xi32, #tpu.memory_space<vmem>>, vector<16xi32>,
    tpu.vector_store %arg6[%swap3A_307], %add3A_306 {strides = array<i32>} : memref<1536xi32, #tpu.memory_space<vmem>>, vector<16xi32>,
    %get3A_309 = arith.constant 192 : index
    %get3A_310 = tpu.vector_load %arg5[%get3A_309] {strides = array<i32>} : memref<512xi32, #tpu.memory_space<vmem>>, vector<16xi32>,
    %add3A_311 = arith.constant 100000 : i32
    %add3A_312 = vector.broadcast %add3A_311 : i32 to vector<16xi32>
    %add3A_313 = arith.addi %get3A_310, %add3A_312 : vector<16xi32>
    %swap3A_314 = arith.constant 704 : index
    %swap3A_315 = tpu.vector_load %arg6[%swap3A_314] {strides = array<i32>} : memref<1536xi32, #tpu.memory_space<vmem>>, vector<16xi32>,
    tpu.vector_store %arg6[%swap3A_314], %add3A_313 {strides = array<i32>} : memref<1536xi32, #tpu.memory_space<vmem>>, vector<16xi32>,
    %get3A_316 = arith.constant 208 : index
    %get3A_317 = tpu.vector_load %arg5[%get3A_316] {strides = array<i32>} : memref<512xi32, #tpu.memory_space<vmem>>, vector<16xi32>,
    %add3A_318 = arith.constant 100000 : i32
    %add3A_319 = vector.broadcast %add3A_318 : i32 to vector<16xi32>
    %add3A_320 = arith.addi %get3A_317, %add3A_319 : vector<16xi32>
    %swap3A_321 = arith.constant 720 : index
    %swap3A_322 = tpu.vector_load %arg6[%swap3A_321] {strides = array<i32>} : memref<1536xi32, #tpu.memory_space<vmem>>, vector<16xi32>,
    tpu.vector_store %arg6[%swap3A_321], %add3A_320 {strides = array<i32>} : memref<1536xi32, #tpu.memory_space<vmem>>, vector<16xi32>,
    %get3A_323 = arith.constant 224 : index
    %get3A_324 = tpu.vector_load %arg5[%get3A_323] {strides = array<i32>} : memref<512xi32, #tpu.memory_space<vmem>>, vector<16xi32>,
    %add3A_325 = arith.constant 100000 : i32
    %add3A_326 = vector.broadcast %add3A_325 : i32 to vector<16xi32>
    %add3A_327 = arith.addi %get3A_324, %add3A_326 : vector<16xi32>
    %swap3A_328 = arith.constant 736 : index
    %swap3A_329 = tpu.vector_load %arg6[%swap3A_328] {strides = array<i32>} : memref<1536xi32, #tpu.memory_space<vmem>>, vector<16xi32>,
    tpu.vector_store %arg6[%swap3A_328], %add3A_327 {strides = array<i32>} : memref<1536xi32, #tpu.memory_space<vmem>>, vector<16xi32>,
    %get3A_330 = arith.constant 240 : index
    %get3A_331 = tpu.vector_load %arg5[%get3A_330] {strides = array<i32>} : memref<512xi32, #tpu.memory_space<vmem>>, vector<16xi32>,
    %add3A_332 = arith.constant 100000 : i32
    %add3A_333 = vector.broadcast %add3A_332 : i32 to vector<16xi32>
    %add3A_334 = arith.addi %get3A_331, %add3A_333 : vector<16xi32>
    %swap3A_335 = arith.constant 752 : index
    %swap3A_336 = tpu.vector_load %arg6[%swap3A_335] {strides = array<i32>} : memref<1536xi32, #tpu.memory_space<vmem>>, vector<16xi32>,
    tpu.vector_store %arg6[%swap3A_335], %add3A_334 {strides = array<i32>} : memref<1536xi32, #tpu.memory_space<vmem>>, vector<16xi32>,
    %get3A_337 = arith.constant 256 : index
    %get3A_338 = tpu.vector_load %arg5[%get3A_337] {strides = array<i32>} : memref<512xi32, #tpu.memory_space<vmem>>, vector<16xi32>,
    %add3A_339 = arith.constant 100000 : i32
    %add3A_340 = vector.broadcast %add3A_339 : i32 to vector<16xi32>
    %add3A_341 = arith.addi %get3A_338, %add3A_340 : vector<16xi32>
    %swap3A_342 = arith.constant 768 : index
    %swap3A_343 = tpu.vector_load %arg6[%swap3A_342] {strides = array<i32>} : memref<1536xi32, #tpu.memory_space<vmem>>, vector<16xi32>,
    tpu.vector_store %arg6[%swap3A_342], %add3A_341 {strides = array<i32>} : memref<1536xi32, #tpu.memory_space<vmem>>, vector<16xi32>,
    %get3A_344 = arith.constant 272 : index
    %get3A_345 = tpu.vector_load %arg5[%get3A_344] {strides = array<i32>} : memref<512xi32, #tpu.memory_space<vmem>>, vector<16xi32>,
    %add3A_346 = arith.constant 100000 : i32
    %add3A_347 = vector.broadcast %add3A_346 : i32 to vector<16xi32>
    %add3A_348 = arith.addi %get3A_345, %add3A_347 : vector<16xi32>
    %swap3A_349 = arith.constant 784 : index
    %swap3A_350 = tpu.vector_load %arg6[%swap3A_349] {strides = array<i32>} : memref<1536xi32, #tpu.memory_space<vmem>>, vector<16xi32>,
    tpu.vector_store %arg6[%swap3A_349], %add3A_348 {strides = array<i32>} : memref<1536xi32, #tpu.memory_space<vmem>>, vector<16xi32>,
    %get3A_351 = arith.constant 288 : index
    %get3A_352 = tpu.vector_load %arg5[%get3A_351] {strides = array<i32>} : memref<512xi32, #tpu.memory_space<vmem>>, vector<16xi32>,
    %add3A_353 = arith.constant 100000 : i32
    %add3A_354 = vector.broadcast %add3A_353 : i32 to vector<16xi32>
    %add3A_355 = arith.addi %get3A_352, %add3A_354 : vector<16xi32>
    %swap3A_356 = arith.constant 800 : index
    %swap3A_357 = tpu.vector_load %arg6[%swap3A_356] {strides = array<i32>} : memref<1536xi32, #tpu.memory_space<vmem>>, vector<16xi32>,
    tpu.vector_store %arg6[%swap3A_356], %add3A_355 {strides = array<i32>} : memref<1536xi32, #tpu.memory_space<vmem>>, vector<16xi32>,
    %get3A_358 = arith.constant 304 : index
    %get3A_359 = tpu.vector_load %arg5[%get3A_358] {strides = array<i32>} : memref<512xi32, #tpu.memory_space<vmem>>, vector<16xi32>,
    %add3A_360 = arith.constant 100000 : i32
    %add3A_361 = vector.broadcast %add3A_360 : i32 to vector<16xi32>
    %add3A_362 = arith.addi %get3A_359, %add3A_361 : vector<16xi32>
    %swap3A_363 = arith.constant 816 : index
    %swap3A_364 = tpu.vector_load %arg6[%swap3A_363] {strides = array<i32>} : memref<1536xi32, #tpu.memory_space<vmem>>, vector<16xi32>,
    tpu.vector_store %arg6[%swap3A_363], %add3A_362 {strides = array<i32>} : memref<1536xi32, #tpu.memory_space<vmem>>, vector<16xi32>,
    %get3A_365 = arith.constant 320 : index
    %get3A_366 = tpu.vector_load %arg5[%get3A_365] {strides = array<i32>} : memref<512xi32, #tpu.memory_space<vmem>>, vector<16xi32>,
    %add3A_367 = arith.constant 100000 : i32
    %add3A_368 = vector.broadcast %add3A_367 : i32 to vector<16xi32>
    %add3A_369 = arith.addi %get3A_366, %add3A_368 : vector<16xi32>
    %swap3A_370 = arith.constant 832 : index
    %swap3A_371 = tpu.vector_load %arg6[%swap3A_370] {strides = array<i32>} : memref<1536xi32, #tpu.memory_space<vmem>>, vector<16xi32>,
    tpu.vector_store %arg6[%swap3A_370], %add3A_369 {strides = array<i32>} : memref<1536xi32, #tpu.memory_space<vmem>>, vector<16xi32>,
    %get3A_372 = arith.constant 336 : index
    %get3A_373 = tpu.vector_load %arg5[%get3A_372] {strides = array<i32>} : memref<512xi32, #tpu.memory_space<vmem>>, vector<16xi32>,
    %add3A_374 = arith.constant 100000 : i32
    %add3A_375 = vector.broadcast %add3A_374 : i32 to vector<16xi32>
    %add3A_376 = arith.addi %get3A_373, %add3A_375 : vector<16xi32>
    %swap3A_377 = arith.constant 848 : index
    %swap3A_378 = tpu.vector_load %arg6[%swap3A_377] {strides = array<i32>} : memref<1536xi32, #tpu.memory_space<vmem>>, vector<16xi32>,
    tpu.vector_store %arg6[%swap3A_377], %add3A_376 {strides = array<i32>} : memref<1536xi32, #tpu.memory_space<vmem>>, vector<16xi32>,
    %get3A_379 = arith.constant 352 : index
    %get3A_380 = tpu.vector_load %arg5[%get3A_379] {strides = array<i32>} : memref<512xi32, #tpu.memory_space<vmem>>, vector<16xi32>,
    %add3A_381 = arith.constant 100000 : i32
    %add3A_382 = vector.broadcast %add3A_381 : i32 to vector<16xi32>
    %add3A_383 = arith.addi %get3A_380, %add3A_382 : vector<16xi32>
    %swap3A_384 = arith.constant 864 : index
    %swap3A_385 = tpu.vector_load %arg6[%swap3A_384] {strides = array<i32>} : memref<1536xi32, #tpu.memory_space<vmem>>, vector<16xi32>,
    tpu.vector_store %arg6[%swap3A_384], %add3A_383 {strides = array<i32>} : memref<1536xi32, #tpu.memory_space<vmem>>, vector<16xi32>,
    %get3A_386 = arith.constant 368 : index
    %get3A_387 = tpu.vector_load %arg5[%get3A_386] {strides = array<i32>} : memref<512xi32, #tpu.memory_space<vmem>>, vector<16xi32>,
    %add3A_388 = arith.constant 100000 : i32
    %add3A_389 = vector.broadcast %add3A_388 : i32 to vector<16xi32>
    %add3A_390 = arith.addi %get3A_387, %add3A_389 : vector<16xi32>
    %swap3A_391 = arith.constant 880 : index
    %swap3A_392 = tpu.vector_load %arg6[%swap3A_391] {strides = array<i32>} : memref<1536xi32, #tpu.memory_space<vmem>>, vector<16xi32>,
    tpu.vector_store %arg6[%swap3A_391], %add3A_390 {strides = array<i32>} : memref<1536xi32, #tpu.memory_space<vmem>>, vector<16xi32>,
    %get3A_393 = arith.constant 384 : index
    %get3A_394 = tpu.vector_load %arg5[%get3A_393] {strides = array<i32>} : memref<512xi32, #tpu.memory_space<vmem>>, vector<16xi32>,
    %add3A_395 = arith.constant 100000 : i32
    %add3A_396 = vector.broadcast %add3A_395 : i32 to vector<16xi32>
    %add3A_397 = arith.addi %get3A_394, %add3A_396 : vector<16xi32>
    %swap3A_398 = arith.constant 896 : index
    %swap3A_399 = tpu.vector_load %arg6[%swap3A_398] {strides = array<i32>} : memref<1536xi32, #tpu.memory_space<vmem>>, vector<16xi32>,
    tpu.vector_store %arg6[%swap3A_398], %add3A_397 {strides = array<i32>} : memref<1536xi32, #tpu.memory_space<vmem>>, vector<16xi32>,
    %get3A_400 = arith.constant 400 : index
    %get3A_401 = tpu.vector_load %arg5[%get3A_400] {strides = array<i32>} : memref<512xi32, #tpu.memory_space<vmem>>, vector<16xi32>,
    %add3A_402 = arith.constant 100000 : i32
    %add3A_403 = vector.broadcast %add3A_402 : i32 to vector<16xi32>
    %add3A_404 = arith.addi %get3A_401, %add3A_403 : vector<16xi32>
    %swap3A_405 = arith.constant 912 : index
    %swap3A_406 = tpu.vector_load %arg6[%swap3A_405] {strides = array<i32>} : memref<1536xi32, #tpu.memory_space<vmem>>, vector<16xi32>,
    tpu.vector_store %arg6[%swap3A_405], %add3A_404 {strides = array<i32>} : memref<1536xi32, #tpu.memory_space<vmem>>, vector<16xi32>,
    %get3A_407 = arith.constant 416 : index
    %get3A_408 = tpu.vector_load %arg5[%get3A_407] {strides = array<i32>} : memref<512xi32, #tpu.memory_space<vmem>>, vector<16xi32>,
    %add3A_409 = arith.constant 100000 : i32
    %add3A_410 = vector.broadcast %add3A_409 : i32 to vector<16xi32>
    %add3A_411 = arith.addi %get3A_408, %add3A_410 : vector<16xi32>
    %swap3A_412 = arith.constant 928 : index
    %swap3A_413 = tpu.vector_load %arg6[%swap3A_412] {strides = array<i32>} : memref<1536xi32, #tpu.memory_space<vmem>>, vector<16xi32>,
    tpu.vector_store %arg6[%swap3A_412], %add3A_411 {strides = array<i32>} : memref<1536xi32, #tpu.memory_space<vmem>>, vector<16xi32>,
    %get3A_414 = arith.constant 432 : index
    %get3A_415 = tpu.vector_load %arg5[%get3A_414] {strides = array<i32>} : memref<512xi32, #tpu.memory_space<vmem>>, vector<16xi32>,
    %add3A_416 = arith.constant 100000 : i32
    %add3A_417 = vector.broadcast %add3A_416 : i32 to vector<16xi32>
    %add3A_418 = arith.addi %get3A_415, %add3A_417 : vector<16xi32>
    %swap3A_419 = arith.constant 944 : index
    %swap3A_420 = tpu.vector_load %arg6[%swap3A_419] {strides = array<i32>} : memref<1536xi32, #tpu.memory_space<vmem>>, vector<16xi32>,
    tpu.vector_store %arg6[%swap3A_419], %add3A_418 {strides = array<i32>} : memref<1536xi32, #tpu.memory_space<vmem>>, vector<16xi32>,
    %get3A_421 = arith.constant 448 : index
    %get3A_422 = tpu.vector_load %arg5[%get3A_421] {strides = array<i32>} : memref<512xi32, #tpu.memory_space<vmem>>, vector<16xi32>,
    %add3A_423 = arith.constant 100000 : i32
    %add3A_424 = vector.broadcast %add3A_423 : i32 to vector<16xi32>
    %add3A_425 = arith.addi %get3A_422, %add3A_424 : vector<16xi32>
    %swap3A_426 = arith.constant 960 : index
    %swap3A_427 = tpu.vector_load %arg6[%swap3A_426] {strides = array<i32>} : memref<1536xi32, #tpu.memory_space<vmem>>, vector<16xi32>,
    tpu.vector_store %arg6[%swap3A_426], %add3A_425 {strides = array<i32>} : memref<1536xi32, #tpu.memory_space<vmem>>, vector<16xi32>,
    %get3A_428 = arith.constant 464 : index
    %get3A_429 = tpu.vector_load %arg5[%get3A_428] {strides = array<i32>} : memref<512xi32, #tpu.memory_space<vmem>>, vector<16xi32>,
    %add3A_430 = arith.constant 100000 : i32
    %add3A_431 = vector.broadcast %add3A_430 : i32 to vector<16xi32>
    %add3A_432 = arith.addi %get3A_429, %add3A_431 : vector<16xi32>
    %swap3A_433 = arith.constant 976 : index
    %swap3A_434 = tpu.vector_load %arg6[%swap3A_433] {strides = array<i32>} : memref<1536xi32, #tpu.memory_space<vmem>>, vector<16xi32>,
    tpu.vector_store %arg6[%swap3A_433], %add3A_432 {strides = array<i32>} : memref<1536xi32, #tpu.memory_space<vmem>>, vector<16xi32>,
    %get3A_435 = arith.constant 480 : index
    %get3A_436 = tpu.vector_load %arg5[%get3A_435] {strides = array<i32>} : memref<512xi32, #tpu.memory_space<vmem>>, vector<16xi32>,
    %add3A_437 = arith.constant 100000 : i32
    %add3A_438 = vector.broadcast %add3A_437 : i32 to vector<16xi32>
    %add3A_439 = arith.addi %get3A_436, %add3A_438 : vector<16xi32>
    %swap3A_440 = arith.constant 992 : index
    %swap3A_441 = tpu.vector_load %arg6[%swap3A_440] {strides = array<i32>} : memref<1536xi32, #tpu.memory_space<vmem>>, vector<16xi32>,
    tpu.vector_store %arg6[%swap3A_440], %add3A_439 {strides = array<i32>} : memref<1536xi32, #tpu.memory_space<vmem>>, vector<16xi32>,
    %get3A_442 = arith.constant 496 : index
    %get3A_443 = tpu.vector_load %arg5[%get3A_442] {strides = array<i32>} : memref<512xi32, #tpu.memory_space<vmem>>, vector<16xi32>,
    %add3A_444 = arith.constant 100000 : i32
    %add3A_445 = vector.broadcast %add3A_444 : i32 to vector<16xi32>
    %add3A_446 = arith.addi %get3A_443, %add3A_445 : vector<16xi32>
    %swap3A_447 = arith.constant 1008 : index
    %swap3A_448 = tpu.vector_load %arg6[%swap3A_447] {strides = array<i32>} : memref<1536xi32, #tpu.memory_space<vmem>>, vector<16xi32>,
    tpu.vector_store %arg6[%swap3A_447], %add3A_446 {strides = array<i32>} : memref<1536xi32, #tpu.memory_space<vmem>>, vector<16xi32>,
    %get3A_449 = arith.constant 0 : index
    %get3A_450 = tpu.vector_load %arg5[%get3A_449] {strides = array<i32>} : memref<512xi32, #tpu.memory_space<vmem>>, vector<16xi32>,
    %add3A_451 = arith.constant 200000 : i32
    %add3A_452 = vector.broadcast %add3A_451 : i32 to vector<16xi32>
    %add3A_453 = arith.addi %get3A_450, %add3A_452 : vector<16xi32>
    %swap3A_454 = arith.constant 1024 : index
    %swap3A_455 = tpu.vector_load %arg6[%swap3A_454] {strides = array<i32>} : memref<1536xi32, #tpu.memory_space<vmem>>, vector<16xi32>,
    tpu.vector_store %arg6[%swap3A_454], %add3A_453 {strides = array<i32>} : memref<1536xi32, #tpu.memory_space<vmem>>, vector<16xi32>,
    %get3A_456 = arith.constant 16 : index
    %get3A_457 = tpu.vector_load %arg5[%get3A_456] {strides = array<i32>} : memref<512xi32, #tpu.memory_space<vmem>>, vector<16xi32>,
    %add3A_458 = arith.constant 200000 : i32
    %add3A_459 = vector.broadcast %add3A_458 : i32 to vector<16xi32>
    %add3A_460 = arith.addi %get3A_457, %add3A_459 : vector<16xi32>
    %swap3A_461 = arith.constant 1040 : index
    %swap3A_462 = tpu.vector_load %arg6[%swap3A_461] {strides = array<i32>} : memref<1536xi32, #tpu.memory_space<vmem>>, vector<16xi32>,
    tpu.vector_store %arg6[%swap3A_461], %add3A_460 {strides = array<i32>} : memref<1536xi32, #tpu.memory_space<vmem>>, vector<16xi32>,
    %get3A_463 = arith.constant 32 : index
    %get3A_464 = tpu.vector_load %arg5[%get3A_463] {strides = array<i32>} : memref<512xi32, #tpu.memory_space<vmem>>, vector<16xi32>,
    %add3A_465 = arith.constant 200000 : i32
    %add3A_466 = vector.broadcast %add3A_465 : i32 to vector<16xi32>
    %add3A_467 = arith.addi %get3A_464, %add3A_466 : vector<16xi32>
    %swap3A_468 = arith.constant 1056 : index
    %swap3A_469 = tpu.vector_load %arg6[%swap3A_468] {strides = array<i32>} : memref<1536xi32, #tpu.memory_space<vmem>>, vector<16xi32>,
    tpu.vector_store %arg6[%swap3A_468], %add3A_467 {strides = array<i32>} : memref<1536xi32, #tpu.memory_space<vmem>>, vector<16xi32>,
    %get3A_470 = arith.constant 48 : index
    %get3A_471 = tpu.vector_load %arg5[%get3A_470] {strides = array<i32>} : memref<512xi32, #tpu.memory_space<vmem>>, vector<16xi32>,
    %add3A_472 = arith.constant 200000 : i32
    %add3A_473 = vector.broadcast %add3A_472 : i32 to vector<16xi32>
    %add3A_474 = arith.addi %get3A_471, %add3A_473 : vector<16xi32>
    %swap3A_475 = arith.constant 1072 : index
    %swap3A_476 = tpu.vector_load %arg6[%swap3A_475] {strides = array<i32>} : memref<1536xi32, #tpu.memory_space<vmem>>, vector<16xi32>,
    tpu.vector_store %arg6[%swap3A_475], %add3A_474 {strides = array<i32>} : memref<1536xi32, #tpu.memory_space<vmem>>, vector<16xi32>,
    %get3A_477 = arith.constant 64 : index
    %get3A_478 = tpu.vector_load %arg5[%get3A_477] {strides = array<i32>} : memref<512xi32, #tpu.memory_space<vmem>>, vector<16xi32>,
    %add3A_479 = arith.constant 200000 : i32
    %add3A_480 = vector.broadcast %add3A_479 : i32 to vector<16xi32>
    %add3A_481 = arith.addi %get3A_478, %add3A_480 : vector<16xi32>
    %swap3A_482 = arith.constant 1088 : index
    %swap3A_483 = tpu.vector_load %arg6[%swap3A_482] {strides = array<i32>} : memref<1536xi32, #tpu.memory_space<vmem>>, vector<16xi32>,
    tpu.vector_store %arg6[%swap3A_482], %add3A_481 {strides = array<i32>} : memref<1536xi32, #tpu.memory_space<vmem>>, vector<16xi32>,
    %get3A_484 = arith.constant 80 : index
    %get3A_485 = tpu.vector_load %arg5[%get3A_484] {strides = array<i32>} : memref<512xi32, #tpu.memory_space<vmem>>, vector<16xi32>,
    %add3A_486 = arith.constant 200000 : i32
    %add3A_487 = vector.broadcast %add3A_486 : i32 to vector<16xi32>
    %add3A_488 = arith.addi %get3A_485, %add3A_487 : vector<16xi32>
    %swap3A_489 = arith.constant 1104 : index
    %swap3A_490 = tpu.vector_load %arg6[%swap3A_489] {strides = array<i32>} : memref<1536xi32, #tpu.memory_space<vmem>>, vector<16xi32>,
    tpu.vector_store %arg6[%swap3A_489], %add3A_488 {strides = array<i32>} : memref<1536xi32, #tpu.memory_space<vmem>>, vector<16xi32>,
    %get3A_491 = arith.constant 96 : index
    %get3A_492 = tpu.vector_load %arg5[%get3A_491] {strides = array<i32>} : memref<512xi32, #tpu.memory_space<vmem>>, vector<16xi32>,
    %add3A_493 = arith.constant 200000 : i32
    %add3A_494 = vector.broadcast %add3A_493 : i32 to vector<16xi32>
    %add3A_495 = arith.addi %get3A_492, %add3A_494 : vector<16xi32>
    %swap3A_496 = arith.constant 1120 : index
    %swap3A_497 = tpu.vector_load %arg6[%swap3A_496] {strides = array<i32>} : memref<1536xi32, #tpu.memory_space<vmem>>, vector<16xi32>,
    tpu.vector_store %arg6[%swap3A_496], %add3A_495 {strides = array<i32>} : memref<1536xi32, #tpu.memory_space<vmem>>, vector<16xi32>,
    %get3A_498 = arith.constant 112 : index
    %get3A_499 = tpu.vector_load %arg5[%get3A_498] {strides = array<i32>} : memref<512xi32, #tpu.memory_space<vmem>>, vector<16xi32>,
    %add3A_500 = arith.constant 200000 : i32
    %add3A_501 = vector.broadcast %add3A_500 : i32 to vector<16xi32>
    %add3A_502 = arith.addi %get3A_499, %add3A_501 : vector<16xi32>
    %swap3A_503 = arith.constant 1136 : index
    %swap3A_504 = tpu.vector_load %arg6[%swap3A_503] {strides = array<i32>} : memref<1536xi32, #tpu.memory_space<vmem>>, vector<16xi32>,
    tpu.vector_store %arg6[%swap3A_503], %add3A_502 {strides = array<i32>} : memref<1536xi32, #tpu.memory_space<vmem>>, vector<16xi32>,
    %get3A_505 = arith.constant 128 : index
    %get3A_506 = tpu.vector_load %arg5[%get3A_505] {strides = array<i32>} : memref<512xi32, #tpu.memory_space<vmem>>, vector<16xi32>,
    %add3A_507 = arith.constant 200000 : i32
    %add3A_508 = vector.broadcast %add3A_507 : i32 to vector<16xi32>
    %add3A_509 = arith.addi %get3A_506, %add3A_508 : vector<16xi32>
    %swap3A_510 = arith.constant 1152 : index
    %swap3A_511 = tpu.vector_load %arg6[%swap3A_510] {strides = array<i32>} : memref<1536xi32, #tpu.memory_space<vmem>>, vector<16xi32>,
    tpu.vector_store %arg6[%swap3A_510], %add3A_509 {strides = array<i32>} : memref<1536xi32, #tpu.memory_space<vmem>>, vector<16xi32>,
    %get3A_512 = arith.constant 144 : index
    %get3A_513 = tpu.vector_load %arg5[%get3A_512] {strides = array<i32>} : memref<512xi32, #tpu.memory_space<vmem>>, vector<16xi32>,
    %add3A_514 = arith.constant 200000 : i32
    %add3A_515 = vector.broadcast %add3A_514 : i32 to vector<16xi32>
    %add3A_516 = arith.addi %get3A_513, %add3A_515 : vector<16xi32>
    %swap3A_517 = arith.constant 1168 : index
    %swap3A_518 = tpu.vector_load %arg6[%swap3A_517] {strides = array<i32>} : memref<1536xi32, #tpu.memory_space<vmem>>, vector<16xi32>,
    tpu.vector_store %arg6[%swap3A_517], %add3A_516 {strides = array<i32>} : memref<1536xi32, #tpu.memory_space<vmem>>, vector<16xi32>,
    %get3A_519 = arith.constant 160 : index
    %get3A_520 = tpu.vector_load %arg5[%get3A_519] {strides = array<i32>} : memref<512xi32, #tpu.memory_space<vmem>>, vector<16xi32>,
    %add3A_521 = arith.constant 200000 : i32
    %add3A_522 = vector.broadcast %add3A_521 : i32 to vector<16xi32>
    %add3A_523 = arith.addi %get3A_520, %add3A_522 : vector<16xi32>
    %swap3A_524 = arith.constant 1184 : index
    %swap3A_525 = tpu.vector_load %arg6[%swap3A_524] {strides = array<i32>} : memref<1536xi32, #tpu.memory_space<vmem>>, vector<16xi32>,
    tpu.vector_store %arg6[%swap3A_524], %add3A_523 {strides = array<i32>} : memref<1536xi32, #tpu.memory_space<vmem>>, vector<16xi32>,
    %get3A_526 = arith.constant 176 : index
    %get3A_527 = tpu.vector_load %arg5[%get3A_526] {strides = array<i32>} : memref<512xi32, #tpu.memory_space<vmem>>, vector<16xi32>,
    %add3A_528 = arith.constant 200000 : i32
    %add3A_529 = vector.broadcast %add3A_528 : i32 to vector<16xi32>
    %add3A_530 = arith.addi %get3A_527, %add3A_529 : vector<16xi32>
    %swap3A_531 = arith.constant 1200 : index
    %swap3A_532 = tpu.vector_load %arg6[%swap3A_531] {strides = array<i32>} : memref<1536xi32, #tpu.memory_space<vmem>>, vector<16xi32>,
    tpu.vector_store %arg6[%swap3A_531], %add3A_530 {strides = array<i32>} : memref<1536xi32, #tpu.memory_space<vmem>>, vector<16xi32>,
    %get3A_533 = arith.constant 192 : index
    %get3A_534 = tpu.vector_load %arg5[%get3A_533] {strides = array<i32>} : memref<512xi32, #tpu.memory_space<vmem>>, vector<16xi32>,
    %add3A_535 = arith.constant 200000 : i32
    %add3A_536 = vector.broadcast %add3A_535 : i32 to vector<16xi32>
    %add3A_537 = arith.addi %get3A_534, %add3A_536 : vector<16xi32>
    %swap3A_538 = arith.constant 1216 : index
    %swap3A_539 = tpu.vector_load %arg6[%swap3A_538] {strides = array<i32>} : memref<1536xi32, #tpu.memory_space<vmem>>, vector<16xi32>,
    tpu.vector_store %arg6[%swap3A_538], %add3A_537 {strides = array<i32>} : memref<1536xi32, #tpu.memory_space<vmem>>, vector<16xi32>,
    %get3A_540 = arith.constant 208 : index
    %get3A_541 = tpu.vector_load %arg5[%get3A_540] {strides = array<i32>} : memref<512xi32, #tpu.memory_space<vmem>>, vector<16xi32>,
    %add3A_542 = arith.constant 200000 : i32
    %add3A_543 = vector.broadcast %add3A_542 : i32 to vector<16xi32>
    %add3A_544 = arith.addi %get3A_541, %add3A_543 : vector<16xi32>
    %swap3A_545 = arith.constant 1232 : index
    %swap3A_546 = tpu.vector_load %arg6[%swap3A_545] {strides = array<i32>} : memref<1536xi32, #tpu.memory_space<vmem>>, vector<16xi32>,
    tpu.vector_store %arg6[%swap3A_545], %add3A_544 {strides = array<i32>} : memref<1536xi32, #tpu.memory_space<vmem>>, vector<16xi32>,
    %get3A_547 = arith.constant 224 : index
    %get3A_548 = tpu.vector_load %arg5[%get3A_547] {strides = array<i32>} : memref<512xi32, #tpu.memory_space<vmem>>, vector<16xi32>,
    %add3A_549 = arith.constant 200000 : i32
    %add3A_550 = vector.broadcast %add3A_549 : i32 to vector<16xi32>
    %add3A_551 = arith.addi %get3A_548, %add3A_550 : vector<16xi32>
    %swap3A_552 = arith.constant 1248 : index
    %swap3A_553 = tpu.vector_load %arg6[%swap3A_552] {strides = array<i32>} : memref<1536xi32, #tpu.memory_space<vmem>>, vector<16xi32>,
    tpu.vector_store %arg6[%swap3A_552], %add3A_551 {strides = array<i32>} : memref<1536xi32, #tpu.memory_space<vmem>>, vector<16xi32>,
    %get3A_554 = arith.constant 240 : index
    %get3A_555 = tpu.vector_load %arg5[%get3A_554] {strides = array<i32>} : memref<512xi32, #tpu.memory_space<vmem>>, vector<16xi32>,
    %add3A_556 = arith.constant 200000 : i32
    %add3A_557 = vector.broadcast %add3A_556 : i32 to vector<16xi32>
    %add3A_558 = arith.addi %get3A_555, %add3A_557 : vector<16xi32>
    %swap3A_559 = arith.constant 1264 : index
    %swap3A_560 = tpu.vector_load %arg6[%swap3A_559] {strides = array<i32>} : memref<1536xi32, #tpu.memory_space<vmem>>, vector<16xi32>,
    tpu.vector_store %arg6[%swap3A_559], %add3A_558 {strides = array<i32>} : memref<1536xi32, #tpu.memory_space<vmem>>, vector<16xi32>,
    %get3A_561 = arith.constant 256 : index
    %get3A_562 = tpu.vector_load %arg5[%get3A_561] {strides = array<i32>} : memref<512xi32, #tpu.memory_space<vmem>>, vector<16xi32>,
    %add3A_563 = arith.constant 200000 : i32
    %add3A_564 = vector.broadcast %add3A_563 : i32 to vector<16xi32>
    %add3A_565 = arith.addi %get3A_562, %add3A_564 : vector<16xi32>
    %swap3A_566 = arith.constant 1280 : index
    %swap3A_567 = tpu.vector_load %arg6[%swap3A_566] {strides = array<i32>} : memref<1536xi32, #tpu.memory_space<vmem>>, vector<16xi32>,
    tpu.vector_store %arg6[%swap3A_566], %add3A_565 {strides = array<i32>} : memref<1536xi32, #tpu.memory_space<vmem>>, vector<16xi32>,
    %get3A_568 = arith.constant 272 : index
    %get3A_569 = tpu.vector_load %arg5[%get3A_568] {strides = array<i32>} : memref<512xi32, #tpu.memory_space<vmem>>, vector<16xi32>,
    %add3A_570 = arith.constant 200000 : i32
    %add3A_571 = vector.broadcast %add3A_570 : i32 to vector<16xi32>
    %add3A_572 = arith.addi %get3A_569, %add3A_571 : vector<16xi32>
    %swap3A_573 = arith.constant 1296 : index
    %swap3A_574 = tpu.vector_load %arg6[%swap3A_573] {strides = array<i32>} : memref<1536xi32, #tpu.memory_space<vmem>>, vector<16xi32>,
    tpu.vector_store %arg6[%swap3A_573], %add3A_572 {strides = array<i32>} : memref<1536xi32, #tpu.memory_space<vmem>>, vector<16xi32>,
    %get3A_575 = arith.constant 288 : index
    %get3A_576 = tpu.vector_load %arg5[%get3A_575] {strides = array<i32>} : memref<512xi32, #tpu.memory_space<vmem>>, vector<16xi32>,
    %add3A_577 = arith.constant 200000 : i32
    %add3A_578 = vector.broadcast %add3A_577 : i32 to vector<16xi32>
    %add3A_579 = arith.addi %get3A_576, %add3A_578 : vector<16xi32>
    %swap3A_580 = arith.constant 1312 : index
    %swap3A_581 = tpu.vector_load %arg6[%swap3A_580] {strides = array<i32>} : memref<1536xi32, #tpu.memory_space<vmem>>, vector<16xi32>,
    tpu.vector_store %arg6[%swap3A_580], %add3A_579 {strides = array<i32>} : memref<1536xi32, #tpu.memory_space<vmem>>, vector<16xi32>,
    %get3A_582 = arith.constant 304 : index
    %get3A_583 = tpu.vector_load %arg5[%get3A_582] {strides = array<i32>} : memref<512xi32, #tpu.memory_space<vmem>>, vector<16xi32>,
    %add3A_584 = arith.constant 200000 : i32
    %add3A_585 = vector.broadcast %add3A_584 : i32 to vector<16xi32>
    %add3A_586 = arith.addi %get3A_583, %add3A_585 : vector<16xi32>
    %swap3A_587 = arith.constant 1328 : index
    %swap3A_588 = tpu.vector_load %arg6[%swap3A_587] {strides = array<i32>} : memref<1536xi32, #tpu.memory_space<vmem>>, vector<16xi32>,
    tpu.vector_store %arg6[%swap3A_587], %add3A_586 {strides = array<i32>} : memref<1536xi32, #tpu.memory_space<vmem>>, vector<16xi32>,
    %get3A_589 = arith.constant 320 : index
    %get3A_590 = tpu.vector_load %arg5[%get3A_589] {strides = array<i32>} : memref<512xi32, #tpu.memory_space<vmem>>, vector<16xi32>,
    %add3A_591 = arith.constant 200000 : i32
    %add3A_592 = vector.broadcast %add3A_591 : i32 to vector<16xi32>
    %add3A_593 = arith.addi %get3A_590, %add3A_592 : vector<16xi32>
    %swap3A_594 = arith.constant 1344 : index
    %swap3A_595 = tpu.vector_load %arg6[%swap3A_594] {strides = array<i32>} : memref<1536xi32, #tpu.memory_space<vmem>>, vector<16xi32>,
    tpu.vector_store %arg6[%swap3A_594], %add3A_593 {strides = array<i32>} : memref<1536xi32, #tpu.memory_space<vmem>>, vector<16xi32>,
    %get3A_596 = arith.constant 336 : index
    %get3A_597 = tpu.vector_load %arg5[%get3A_596] {strides = array<i32>} : memref<512xi32, #tpu.memory_space<vmem>>, vector<16xi32>,
    %add3A_598 = arith.constant 200000 : i32
    %add3A_599 = vector.broadcast %add3A_598 : i32 to vector<16xi32>
    %add3A_600 = arith.addi %get3A_597, %add3A_599 : vector<16xi32>
    %swap3A_601 = arith.constant 1360 : index
    %swap3A_602 = tpu.vector_load %arg6[%swap3A_601] {strides = array<i32>} : memref<1536xi32, #tpu.memory_space<vmem>>, vector<16xi32>,
    tpu.vector_store %arg6[%swap3A_601], %add3A_600 {strides = array<i32>} : memref<1536xi32, #tpu.memory_space<vmem>>, vector<16xi32>,
    %get3A_603 = arith.constant 352 : index
    %get3A_604 = tpu.vector_load %arg5[%get3A_603] {strides = array<i32>} : memref<512xi32, #tpu.memory_space<vmem>>, vector<16xi32>,
    %add3A_605 = arith.constant 200000 : i32
    %add3A_606 = vector.broadcast %add3A_605 : i32 to vector<16xi32>
    %add3A_607 = arith.addi %get3A_604, %add3A_606 : vector<16xi32>
    %swap3A_608 = arith.constant 1376 : index
    %swap3A_609 = tpu.vector_load %arg6[%swap3A_608] {strides = array<i32>} : memref<1536xi32, #tpu.memory_space<vmem>>, vector<16xi32>,
    tpu.vector_store %arg6[%swap3A_608], %add3A_607 {strides = array<i32>} : memref<1536xi32, #tpu.memory_space<vmem>>, vector<16xi32>,
    %get3A_610 = arith.constant 368 : index
    %get3A_611 = tpu.vector_load %arg5[%get3A_610] {strides = array<i32>} : memref<512xi32, #tpu.memory_space<vmem>>, vector<16xi32>,
    %add3A_612 = arith.constant 200000 : i32
    %add3A_613 = vector.broadcast %add3A_612 : i32 to vector<16xi32>
    %add3A_614 = arith.addi %get3A_611, %add3A_613 : vector<16xi32>
    %swap3A_615 = arith.constant 1392 : index
    %swap3A_616 = tpu.vector_load %arg6[%swap3A_615] {strides = array<i32>} : memref<1536xi32, #tpu.memory_space<vmem>>, vector<16xi32>,
    tpu.vector_store %arg6[%swap3A_615], %add3A_614 {strides = array<i32>} : memref<1536xi32, #tpu.memory_space<vmem>>, vector<16xi32>,
    %get3A_617 = arith.constant 384 : index
    %get3A_618 = tpu.vector_load %arg5[%get3A_617] {strides = array<i32>} : memref<512xi32, #tpu.memory_space<vmem>>, vector<16xi32>,
    %add3A_619 = arith.constant 200000 : i32
    %add3A_620 = vector.broadcast %add3A_619 : i32 to vector<16xi32>
    %add3A_621 = arith.addi %get3A_618, %add3A_620 : vector<16xi32>
    %swap3A_622 = arith.constant 1408 : index
    %swap3A_623 = tpu.vector_load %arg6[%swap3A_622] {strides = array<i32>} : memref<1536xi32, #tpu.memory_space<vmem>>, vector<16xi32>,
    tpu.vector_store %arg6[%swap3A_622], %add3A_621 {strides = array<i32>} : memref<1536xi32, #tpu.memory_space<vmem>>, vector<16xi32>,
    %get3A_624 = arith.constant 400 : index
    %get3A_625 = tpu.vector_load %arg5[%get3A_624] {strides = array<i32>} : memref<512xi32, #tpu.memory_space<vmem>>, vector<16xi32>,
    %add3A_626 = arith.constant 200000 : i32
    %add3A_627 = vector.broadcast %add3A_626 : i32 to vector<16xi32>
    %add3A_628 = arith.addi %get3A_625, %add3A_627 : vector<16xi32>
    %swap3A_629 = arith.constant 1424 : index
    %swap3A_630 = tpu.vector_load %arg6[%swap3A_629] {strides = array<i32>} : memref<1536xi32, #tpu.memory_space<vmem>>, vector<16xi32>,
    tpu.vector_store %arg6[%swap3A_629], %add3A_628 {strides = array<i32>} : memref<1536xi32, #tpu.memory_space<vmem>>, vector<16xi32>,
    %get3A_631 = arith.constant 416 : index
    %get3A_632 = tpu.vector_load %arg5[%get3A_631] {strides = array<i32>} : memref<512xi32, #tpu.memory_space<vmem>>, vector<16xi32>,
    %add3A_633 = arith.constant 200000 : i32
    %add3A_634 = vector.broadcast %add3A_633 : i32 to vector<16xi32>
    %add3A_635 = arith.addi %get3A_632, %add3A_634 : vector<16xi32>
    %swap3A_636 = arith.constant 1440 : index
    %swap3A_637 = tpu.vector_load %arg6[%swap3A_636] {strides = array<i32>} : memref<1536xi32, #tpu.memory_space<vmem>>, vector<16xi32>,
    tpu.vector_store %arg6[%swap3A_636], %add3A_635 {strides = array<i32>} : memref<1536xi32, #tpu.memory_space<vmem>>, vector<16xi32>,
    %get3A_638 = arith.constant 432 : index
    %get3A_639 = tpu.vector_load %arg5[%get3A_638] {strides = array<i32>} : memref<512xi32, #tpu.memory_space<vmem>>, vector<16xi32>,
    %add3A_640 = arith.constant 200000 : i32
    %add3A_641 = vector.broadcast %add3A_640 : i32 to vector<16xi32>
    %add3A_642 = arith.addi %get3A_639, %add3A_641 : vector<16xi32>
    %swap3A_643 = arith.constant 1456 : index
    %swap3A_644 = tpu.vector_load %arg6[%swap3A_643] {strides = array<i32>} : memref<1536xi32, #tpu.memory_space<vmem>>, vector<16xi32>,
    tpu.vector_store %arg6[%swap3A_643], %add3A_642 {strides = array<i32>} : memref<1536xi32, #tpu.memory_space<vmem>>, vector<16xi32>,
    %get3A_645 = arith.constant 448 : index
    %get3A_646 = tpu.vector_load %arg5[%get3A_645] {strides = array<i32>} : memref<512xi32, #tpu.memory_space<vmem>>, vector<16xi32>,
    %add3A_647 = arith.constant 200000 : i32
    %add3A_648 = vector.broadcast %add3A_647 : i32 to vector<16xi32>
    %add3A_649 = arith.addi %get3A_646, %add3A_648 : vector<16xi32>
    %swap3A_650 = arith.constant 1472 : index
    %swap3A_651 = tpu.vector_load %arg6[%swap3A_650] {strides = array<i32>} : memref<1536xi32, #tpu.memory_space<vmem>>, vector<16xi32>,
    tpu.vector_store %arg6[%swap3A_650], %add3A_649 {strides = array<i32>} : memref<1536xi32, #tpu.memory_space<vmem>>, vector<16xi32>,
    %get3A_652 = arith.constant 464 : index
    %get3A_653 = tpu.vector_load %arg5[%get3A_652] {strides = array<i32>} : memref<512xi32, #tpu.memory_space<vmem>>, vector<16xi32>,
    %add3A_654 = arith.constant 200000 : i32
    %add3A_655 = vector.broadcast %add3A_654 : i32 to vector<16xi32>
    %add3A_656 = arith.addi %get3A_653, %add3A_655 : vector<16xi32>
    %swap3A_657 = arith.constant 1488 : index
    %swap3A_658 = tpu.vector_load %arg6[%swap3A_657] {strides = array<i32>} : memref<1536xi32, #tpu.memory_space<vmem>>, vector<16xi32>,
    tpu.vector_store %arg6[%swap3A_657], %add3A_656 {strides = array<i32>} : memref<1536xi32, #tpu.memory_space<vmem>>, vector<16xi32>,
    %get3A_659 = arith.constant 480 : index
    %get3A_660 = tpu.vector_load %arg5[%get3A_659] {strides = array<i32>} : memref<512xi32, #tpu.memory_space<vmem>>, vector<16xi32>,
    %add3A_661 = arith.constant 200000 : i32
    %add3A_662 = vector.broadcast %add3A_661 : i32 to vector<16xi32>
    %add3A_663 = arith.addi %get3A_660, %add3A_662 : vector<16xi32>
    %swap3A_664 = arith.constant 1504 : index
    %swap3A_665 = tpu.vector_load %arg6[%swap3A_664] {strides = array<i32>} : memref<1536xi32, #tpu.memory_space<vmem>>, vector<16xi32>,
    tpu.vector_store %arg6[%swap3A_664], %add3A_663 {strides = array<i32>} : memref<1536xi32, #tpu.memory_space<vmem>>, vector<16xi32>,
    %get3A_666 = arith.constant 496 : index
    %get3A_667 = tpu.vector_load %arg5[%get3A_666] {strides = array<i32>} : memref<512xi32, #tpu.memory_space<vmem>>, vector<16xi32>,
    %add3A_668 = arith.constant 200000 : i32
    %add3A_669 = vector.broadcast %add3A_668 : i32 to vector<16xi32>
    %add3A_670 = arith.addi %get3A_667, %add3A_669 : vector<16xi32>
    %swap3A_671 = arith.constant 1520 : index
    %swap3A_672 = tpu.vector_load %arg6[%swap3A_671] {strides = array<i32>} : memref<1536xi32, #tpu.memory_space<vmem>>, vector<16xi32>,
    tpu.vector_store %arg6[%swap3A_671], %add3A_670 {strides = array<i32>} : memref<1536xi32, #tpu.memory_space<vmem>>, vector<16xi32>,
    %dma_start3A = arith.constant 0 : i32
    %dma_start3A_673 = tpu.memref_slice %arg2[%dma_start3A] : memref<300000xi32, #tpu.memory_space<hbm>> -> memref<300000xi32, #tpu.memory_space<hbm>>
    tpu.enqueue_indirect_dma source(%dma_start3A_673 : memref<300000xi32, #tpu.memory_space<hbm>>) target(%arg7 : memref<1536xi32, #tpu.memory_space<vmem>>) offsets(%arg6 : memref<1536xi32, #tpu.memory_space<vmem>>) semaphore(%arg9 : memref<!tpu.dma_semaphore, #tpu.memory_space<semaphore_mem>>)
    %dma_wait3A = arith.constant 0 : i32
    %dma_wait3A_674 = tpu.memref_slice %arg2[%dma_wait3A] : memref<300000xi32, #tpu.memory_space<hbm>> -> memref<300000xi32, #tpu.memory_space<hbm>>
    tpu.wait_indirect_dma semaphore(%arg9 : memref<!tpu.dma_semaphore, #tpu.memory_space<semaphore_mem>>) src(%dma_wait3A_674 : memref<300000xi32, #tpu.memory_space<hbm>>) dst(%arg7 : memref<1536xi32, #tpu.memory_space<vmem>>)
    %broadcast_in_dim3A = arith.constant 3 : i32
    %broadcast_in_dim3A_675 = vector.broadcast %broadcast_in_dim3A : i32 to vector<16xi32>
    %iota3A = tpu.iota {dimensions = array<i32: 0>} : vector<16xi32>
    %broadcast_in_dim3A_676 = arith.constant 124928 : i32
    %broadcast_in_dim3A_677 = vector.broadcast %broadcast_in_dim3A_676 : i32 to vector<16xi32>
    %shift_right_logical3A = arith.constant 3 : i32
    %shift_right_logical3A_678 = vector.broadcast %shift_right_logical3A : i32 to vector<16xi32>
    %shift_right_logical3A_679 = arith.shrui %iota3A, %shift_right_logical3A_678 : vector<16xi32>
    %mul3A_680 = arith.constant 999424 : i32
    %mul3A_681 = vector.broadcast %mul3A_680 : i32 to vector<16xi32>
    %mul3A_682 = arith.muli %shift_right_logical3A_679, %mul3A_681 : vector<16xi32>
    %and3A = arith.constant 7 : i32
    %and3A_683 = vector.broadcast %and3A : i32 to vector<16xi32>
    %and3A_684 = arith.andi %iota3A, %and3A_683 : vector<16xi32>
    %mul3A_685 = arith.constant 128 : i32
    %mul3A_686 = vector.broadcast %mul3A_685 : i32 to vector<16xi32>
    %mul3A_687 = arith.muli %and3A_684, %mul3A_686 : vector<16xi32>
    %add3A_688 = arith.addi %mul3A_682, %mul3A_687 : vector<16xi32>
    %scan3A = arith.constant 0 : i32
    %scan3A_689 = arith.constant 0 : i32
    %scan3A_690 = arith.constant 96 : i32
    %scan3A_691 = arith.addi %scan3A_689, %scan3A_690 : i32
    %scan3A_692 = arith.constant 1 : i32
    scf.for %scan3A_696 = %scan3A_689 to %scan3A_691 step %scan3A_692  : i32 {
      %mul3A_697 = arith.constant 16 : i32
      %mul3A_698 = arith.muli %scan3A_696, %mul3A_697 : i32
      %add3A_699 = vector.broadcast %mul3A_698 : i32 to vector<16xi32>
      %add3A_700 = arith.addi %iota3A, %add3A_699 : vector<16xi32>
      %div3A = arith.divsi %add3A_700, %broadcast_in_dim3A_675 : vector<16xi32>
      %rem3A = arith.remsi %add3A_700, %broadcast_in_dim3A_675 : vector<16xi32>
      %mul3A_701 = arith.constant 512 : i32
      %mul3A_702 = vector.broadcast %mul3A_701 : i32 to vector<16xi32>
      %mul3A_703 = arith.muli %rem3A, %mul3A_702 : vector<16xi32>
      %add3A_704 = arith.addi %mul3A_703, %div3A : vector<16xi32>
      %gather3A = tpu.vector_load_idx %arg7[%add3A_704] : memref<1536xi32, #tpu.memory_space<vmem>>[vector<16xi32>], vector<16xi32>,
      %div3A_705 = arith.divsi %gather3A, %broadcast_in_dim3A_677 : vector<16xi32>
      %rem3A_706 = arith.remsi %gather3A, %broadcast_in_dim3A_677 : vector<16xi32>
      %mul3A_707 = arith.constant 1998848 : i32
      %mul3A_708 = vector.broadcast %mul3A_707 : i32 to vector<16xi32>
      %mul3A_709 = arith.muli %div3A_705, %mul3A_708 : vector<16xi32>
      %shift_right_logical3A_710 = arith.constant 7 : i32
      %shift_right_logical3A_711 = vector.broadcast %shift_right_logical3A_710 : i32 to vector<16xi32>
      %shift_right_logical3A_712 = arith.shrui %rem3A_706, %shift_right_logical3A_711 : vector<16xi32>
      %shift_left3A = arith.constant 10 : i32
      %shift_left3A_713 = vector.broadcast %shift_left3A : i32 to vector<16xi32>
      %shift_left3A_714 = arith.shli %shift_right_logical3A_712, %shift_left3A_713 : vector<16xi32>
      %add3A_715 = arith.addi %mul3A_709, %shift_left3A_714 : vector<16xi32>
      %and3A_716 = arith.constant 127 : i32
      %and3A_717 = vector.broadcast %and3A_716 : i32 to vector<16xi32>
      %and3A_718 = arith.andi %rem3A_706, %and3A_717 : vector<16xi32>
      %add3A_719 = arith.addi %add3A_715, %and3A_718 : vector<16xi32>
      %broadcast_in_dim3A_720 = arith.constant 0 : i32
      %broadcast_in_dim3A_721 = vector.broadcast %broadcast_in_dim3A_720 : i32 to vector<16x1xi32>
      %gather3A_722 = vector.shape_cast %broadcast_in_dim3A_721 : vector<16x1xi32> to vector<16xi32>
      %gather3A_723 = tpu.dynamic_gather %add3A_719[%gather3A_722] in [0] : vector<16xi32>, vector<16xi32> -> vector<16xi32>
      %add3A_724 = arith.addi %gather3A_723, %add3A_688 : vector<16xi32>
      %mul3A_725 = arith.constant 16 : i32
      %mul3A_726 = arith.muli %scan3A_696, %mul3A_725 : i32
      %mul3A_727 = arith.constant 16 : i32
      %mul3A_728 = arith.muli %mul3A_726, %mul3A_727 : i32
      %add3A_729 = arith.constant 0 : i32
      %add3A_730 = arith.addi %mul3A_728, %add3A_729 : i32
      %swap3A_731 = arith.index_cast %add3A_730 : i32 to index
      %swap3A_732 = tpu.vector_load %arg8[%swap3A_731] {strides = array<i32>} : memref<24576xi32, #tpu.memory_space<vmem>>, vector<16xi32>,
      tpu.vector_store %arg8[%swap3A_731], %add3A_724 {strides = array<i32>} : memref<24576xi32, #tpu.memory_space<vmem>>, vector<16xi32>,
      %broadcast_in_dim3A_733 = arith.constant 1 : i32
      %broadcast_in_dim3A_734 = vector.broadcast %broadcast_in_dim3A_733 : i32 to vector<16x1xi32>
      %gather3A_735 = vector.shape_cast %broadcast_in_dim3A_734 : vector<16x1xi32> to vector<16xi32>
      %gather3A_736 = tpu.dynamic_gather %add3A_719[%gather3A_735] in [0] : vector<16xi32>, vector<16xi32> -> vector<16xi32>
      %add3A_737 = arith.addi %gather3A_736, %add3A_688 : vector<16xi32>
      %mul3A_738 = arith.constant 16 : i32
      %mul3A_739 = arith.muli %scan3A_696, %mul3A_738 : i32
      %mul3A_740 = arith.constant 16 : i32
      %mul3A_741 = arith.muli %mul3A_739, %mul3A_740 : i32
      %add3A_742 = arith.constant 16 : i32
      %add3A_743 = arith.addi %mul3A_741, %add3A_742 : i32
      %swap3A_744 = arith.index_cast %add3A_743 : i32 to index
      %swap3A_745 = tpu.vector_load %arg8[%swap3A_744] {strides = array<i32>} : memref<24576xi32, #tpu.memory_space<vmem>>, vector<16xi32>,
      tpu.vector_store %arg8[%swap3A_744], %add3A_737 {strides = array<i32>} : memref<24576xi32, #tpu.memory_space<vmem>>, vector<16xi32>,
      %broadcast_in_dim3A_746 = arith.constant 2 : i32
      %broadcast_in_dim3A_747 = vector.broadcast %broadcast_in_dim3A_746 : i32 to vector<16x1xi32>
      %gather3A_748 = vector.shape_cast %broadcast_in_dim3A_747 : vector<16x1xi32> to vector<16xi32>
      %gather3A_749 = tpu.dynamic_gather %add3A_719[%gather3A_748] in [0] : vector<16xi32>, vector<16xi32> -> vector<16xi32>
      %add3A_750 = arith.addi %gather3A_749, %add3A_688 : vector<16xi32>
      %mul3A_751 = arith.constant 16 : i32
      %mul3A_752 = arith.muli %scan3A_696, %mul3A_751 : i32
      %mul3A_753 = arith.constant 16 : i32
      %mul3A_754 = arith.muli %mul3A_752, %mul3A_753 : i32
      %add3A_755 = arith.constant 32 : i32
      %add3A_756 = arith.addi %mul3A_754, %add3A_755 : i32
      %swap3A_757 = arith.index_cast %add3A_756 : i32 to index
      %swap3A_758 = tpu.vector_load %arg8[%swap3A_757] {strides = array<i32>} : memref<24576xi32, #tpu.memory_space<vmem>>, vector<16xi32>,
      tpu.vector_store %arg8[%swap3A_757], %add3A_750 {strides = array<i32>} : memref<24576xi32, #tpu.memory_space<vmem>>, vector<16xi32>,
      %broadcast_in_dim3A_759 = arith.constant 3 : i32
      %broadcast_in_dim3A_760 = vector.broadcast %broadcast_in_dim3A_759 : i32 to vector<16x1xi32>
      %gather3A_761 = vector.shape_cast %broadcast_in_dim3A_760 : vector<16x1xi32> to vector<16xi32>
      %gather3A_762 = tpu.dynamic_gather %add3A_719[%gather3A_761] in [0] : vector<16xi32>, vector<16xi32> -> vector<16xi32>
      %add3A_763 = arith.addi %gather3A_762, %add3A_688 : vector<16xi32>
      %mul3A_764 = arith.constant 16 : i32
      %mul3A_765 = arith.muli %scan3A_696, %mul3A_764 : i32
      %mul3A_766 = arith.constant 16 : i32
      %mul3A_767 = arith.muli %mul3A_765, %mul3A_766 : i32
      %add3A_768 = arith.constant 48 : i32
      %add3A_769 = arith.addi %mul3A_767, %add3A_768 : i32
      %swap3A_770 = arith.index_cast %add3A_769 : i32 to index
      %swap3A_771 = tpu.vector_load %arg8[%swap3A_770] {strides = array<i32>} : memref<24576xi32, #tpu.memory_space<vmem>>, vector<16xi32>,
      tpu.vector_store %arg8[%swap3A_770], %add3A_763 {strides = array<i32>} : memref<24576xi32, #tpu.memory_space<vmem>>, vector<16xi32>,
      %broadcast_in_dim3A_772 = arith.constant 4 : i32
      %broadcast_in_dim3A_773 = vector.broadcast %broadcast_in_dim3A_772 : i32 to vector<16x1xi32>
      %gather3A_774 = vector.shape_cast %broadcast_in_dim3A_773 : vector<16x1xi32> to vector<16xi32>
      %gather3A_775 = tpu.dynamic_gather %add3A_719[%gather3A_774] in [0] : vector<16xi32>, vector<16xi32> -> vector<16xi32>
      %add3A_776 = arith.addi %gather3A_775, %add3A_688 : vector<16xi32>
      %mul3A_777 = arith.constant 16 : i32
      %mul3A_778 = arith.muli %scan3A_696, %mul3A_777 : i32
      %mul3A_779 = arith.constant 16 : i32
      %mul3A_780 = arith.muli %mul3A_778, %mul3A_779 : i32
      %add3A_781 = arith.constant 64 : i32
      %add3A_782 = arith.addi %mul3A_780, %add3A_781 : i32
      %swap3A_783 = arith.index_cast %add3A_782 : i32 to index
      %swap3A_784 = tpu.vector_load %arg8[%swap3A_783] {strides = array<i32>} : memref<24576xi32, #tpu.memory_space<vmem>>, vector<16xi32>,
      tpu.vector_store %arg8[%swap3A_783], %add3A_776 {strides = array<i32>} : memref<24576xi32, #tpu.memory_space<vmem>>, vector<16xi32>,
      %broadcast_in_dim3A_785 = arith.constant 5 : i32
      %broadcast_in_dim3A_786 = vector.broadcast %broadcast_in_dim3A_785 : i32 to vector<16x1xi32>
      %gather3A_787 = vector.shape_cast %broadcast_in_dim3A_786 : vector<16x1xi32> to vector<16xi32>
      %gather3A_788 = tpu.dynamic_gather %add3A_719[%gather3A_787] in [0] : vector<16xi32>, vector<16xi32> -> vector<16xi32>
      %add3A_789 = arith.addi %gather3A_788, %add3A_688 : vector<16xi32>
      %mul3A_790 = arith.constant 16 : i32
      %mul3A_791 = arith.muli %scan3A_696, %mul3A_790 : i32
      %mul3A_792 = arith.constant 16 : i32
      %mul3A_793 = arith.muli %mul3A_791, %mul3A_792 : i32
      %add3A_794 = arith.constant 80 : i32
      %add3A_795 = arith.addi %mul3A_793, %add3A_794 : i32
      %swap3A_796 = arith.index_cast %add3A_795 : i32 to index
      %swap3A_797 = tpu.vector_load %arg8[%swap3A_796] {strides = array<i32>} : memref<24576xi32, #tpu.memory_space<vmem>>, vector<16xi32>,
      tpu.vector_store %arg8[%swap3A_796], %add3A_789 {strides = array<i32>} : memref<24576xi32, #tpu.memory_space<vmem>>, vector<16xi32>,
      %broadcast_in_dim3A_798 = arith.constant 6 : i32
      %broadcast_in_dim3A_799 = vector.broadcast %broadcast_in_dim3A_798 : i32 to vector<16x1xi32>
      %gather3A_800 = vector.shape_cast %broadcast_in_dim3A_799 : vector<16x1xi32> to vector<16xi32>
      %gather3A_801 = tpu.dynamic_gather %add3A_719[%gather3A_800] in [0] : vector<16xi32>, vector<16xi32> -> vector<16xi32>
      %add3A_802 = arith.addi %gather3A_801, %add3A_688 : vector<16xi32>
      %mul3A_803 = arith.constant 16 : i32
      %mul3A_804 = arith.muli %scan3A_696, %mul3A_803 : i32
      %mul3A_805 = arith.constant 16 : i32
      %mul3A_806 = arith.muli %mul3A_804, %mul3A_805 : i32
      %add3A_807 = arith.constant 96 : i32
      %add3A_808 = arith.addi %mul3A_806, %add3A_807 : i32
      %swap3A_809 = arith.index_cast %add3A_808 : i32 to index
      %swap3A_810 = tpu.vector_load %arg8[%swap3A_809] {strides = array<i32>} : memref<24576xi32, #tpu.memory_space<vmem>>, vector<16xi32>,
      tpu.vector_store %arg8[%swap3A_809], %add3A_802 {strides = array<i32>} : memref<24576xi32, #tpu.memory_space<vmem>>, vector<16xi32>,
      %broadcast_in_dim3A_811 = arith.constant 7 : i32
      %broadcast_in_dim3A_812 = vector.broadcast %broadcast_in_dim3A_811 : i32 to vector<16x1xi32>
      %gather3A_813 = vector.shape_cast %broadcast_in_dim3A_812 : vector<16x1xi32> to vector<16xi32>
      %gather3A_814 = tpu.dynamic_gather %add3A_719[%gather3A_813] in [0] : vector<16xi32>, vector<16xi32> -> vector<16xi32>
      %add3A_815 = arith.addi %gather3A_814, %add3A_688 : vector<16xi32>
      %mul3A_816 = arith.constant 16 : i32
      %mul3A_817 = arith.muli %scan3A_696, %mul3A_816 : i32
      %mul3A_818 = arith.constant 16 : i32
      %mul3A_819 = arith.muli %mul3A_817, %mul3A_818 : i32
      %add3A_820 = arith.constant 112 : i32
      %add3A_821 = arith.addi %mul3A_819, %add3A_820 : i32
      %swap3A_822 = arith.index_cast %add3A_821 : i32 to index
      %swap3A_823 = tpu.vector_load %arg8[%swap3A_822] {strides = array<i32>} : memref<24576xi32, #tpu.memory_space<vmem>>, vector<16xi32>,
      tpu.vector_store %arg8[%swap3A_822], %add3A_815 {strides = array<i32>} : memref<24576xi32, #tpu.memory_space<vmem>>, vector<16xi32>,
      %broadcast_in_dim3A_824 = arith.constant 8 : i32
      %broadcast_in_dim3A_825 = vector.broadcast %broadcast_in_dim3A_824 : i32 to vector<16x1xi32>
      %gather3A_826 = vector.shape_cast %broadcast_in_dim3A_825 : vector<16x1xi32> to vector<16xi32>
      %gather3A_827 = tpu.dynamic_gather %add3A_719[%gather3A_826] in [0] : vector<16xi32>, vector<16xi32> -> vector<16xi32>
      %add3A_828 = arith.addi %gather3A_827, %add3A_688 : vector<16xi32>
      %mul3A_829 = arith.constant 16 : i32
      %mul3A_830 = arith.muli %scan3A_696, %mul3A_829 : i32
      %mul3A_831 = arith.constant 16 : i32
      %mul3A_832 = arith.muli %mul3A_830, %mul3A_831 : i32
      %add3A_833 = arith.constant 128 : i32
      %add3A_834 = arith.addi %mul3A_832, %add3A_833 : i32
      %swap3A_835 = arith.index_cast %add3A_834 : i32 to index
      %swap3A_836 = tpu.vector_load %arg8[%swap3A_835] {strides = array<i32>} : memref<24576xi32, #tpu.memory_space<vmem>>, vector<16xi32>,
      tpu.vector_store %arg8[%swap3A_835], %add3A_828 {strides = array<i32>} : memref<24576xi32, #tpu.memory_space<vmem>>, vector<16xi32>,
      %broadcast_in_dim3A_837 = arith.constant 9 : i32
      %broadcast_in_dim3A_838 = vector.broadcast %broadcast_in_dim3A_837 : i32 to vector<16x1xi32>
      %gather3A_839 = vector.shape_cast %broadcast_in_dim3A_838 : vector<16x1xi32> to vector<16xi32>
      %gather3A_840 = tpu.dynamic_gather %add3A_719[%gather3A_839] in [0] : vector<16xi32>, vector<16xi32> -> vector<16xi32>
      %add3A_841 = arith.addi %gather3A_840, %add3A_688 : vector<16xi32>
      %mul3A_842 = arith.constant 16 : i32
      %mul3A_843 = arith.muli %scan3A_696, %mul3A_842 : i32
      %mul3A_844 = arith.constant 16 : i32
      %mul3A_845 = arith.muli %mul3A_843, %mul3A_844 : i32
      %add3A_846 = arith.constant 144 : i32
      %add3A_847 = arith.addi %mul3A_845, %add3A_846 : i32
      %swap3A_848 = arith.index_cast %add3A_847 : i32 to index
      %swap3A_849 = tpu.vector_load %arg8[%swap3A_848] {strides = array<i32>} : memref<24576xi32, #tpu.memory_space<vmem>>, vector<16xi32>,
      tpu.vector_store %arg8[%swap3A_848], %add3A_841 {strides = array<i32>} : memref<24576xi32, #tpu.memory_space<vmem>>, vector<16xi32>,
      %broadcast_in_dim3A_850 = arith.constant 10 : i32
      %broadcast_in_dim3A_851 = vector.broadcast %broadcast_in_dim3A_850 : i32 to vector<16x1xi32>
      %gather3A_852 = vector.shape_cast %broadcast_in_dim3A_851 : vector<16x1xi32> to vector<16xi32>
      %gather3A_853 = tpu.dynamic_gather %add3A_719[%gather3A_852] in [0] : vector<16xi32>, vector<16xi32> -> vector<16xi32>
      %add3A_854 = arith.addi %gather3A_853, %add3A_688 : vector<16xi32>
      %mul3A_855 = arith.constant 16 : i32
      %mul3A_856 = arith.muli %scan3A_696, %mul3A_855 : i32
      %mul3A_857 = arith.constant 16 : i32
      %mul3A_858 = arith.muli %mul3A_856, %mul3A_857 : i32
      %add3A_859 = arith.constant 160 : i32
      %add3A_860 = arith.addi %mul3A_858, %add3A_859 : i32
      %swap3A_861 = arith.index_cast %add3A_860 : i32 to index
      %swap3A_862 = tpu.vector_load %arg8[%swap3A_861] {strides = array<i32>} : memref<24576xi32, #tpu.memory_space<vmem>>, vector<16xi32>,
      tpu.vector_store %arg8[%swap3A_861], %add3A_854 {strides = array<i32>} : memref<24576xi32, #tpu.memory_space<vmem>>, vector<16xi32>,
      %broadcast_in_dim3A_863 = arith.constant 11 : i32
      %broadcast_in_dim3A_864 = vector.broadcast %broadcast_in_dim3A_863 : i32 to vector<16x1xi32>
      %gather3A_865 = vector.shape_cast %broadcast_in_dim3A_864 : vector<16x1xi32> to vector<16xi32>
      %gather3A_866 = tpu.dynamic_gather %add3A_719[%gather3A_865] in [0] : vector<16xi32>, vector<16xi32> -> vector<16xi32>
      %add3A_867 = arith.addi %gather3A_866, %add3A_688 : vector<16xi32>
      %mul3A_868 = arith.constant 16 : i32
      %mul3A_869 = arith.muli %scan3A_696, %mul3A_868 : i32
      %mul3A_870 = arith.constant 16 : i32
      %mul3A_871 = arith.muli %mul3A_869, %mul3A_870 : i32
      %add3A_872 = arith.constant 176 : i32
      %add3A_873 = arith.addi %mul3A_871, %add3A_872 : i32
      %swap3A_874 = arith.index_cast %add3A_873 : i32 to index
      %swap3A_875 = tpu.vector_load %arg8[%swap3A_874] {strides = array<i32>} : memref<24576xi32, #tpu.memory_space<vmem>>, vector<16xi32>,
      tpu.vector_store %arg8[%swap3A_874], %add3A_867 {strides = array<i32>} : memref<24576xi32, #tpu.memory_space<vmem>>, vector<16xi32>,
      %broadcast_in_dim3A_876 = arith.constant 12 : i32
      %broadcast_in_dim3A_877 = vector.broadcast %broadcast_in_dim3A_876 : i32 to vector<16x1xi32>
      %gather3A_878 = vector.shape_cast %broadcast_in_dim3A_877 : vector<16x1xi32> to vector<16xi32>
      %gather3A_879 = tpu.dynamic_gather %add3A_719[%gather3A_878] in [0] : vector<16xi32>, vector<16xi32> -> vector<16xi32>
      %add3A_880 = arith.addi %gather3A_879, %add3A_688 : vector<16xi32>
      %mul3A_881 = arith.constant 16 : i32
      %mul3A_882 = arith.muli %scan3A_696, %mul3A_881 : i32
      %mul3A_883 = arith.constant 16 : i32
      %mul3A_884 = arith.muli %mul3A_882, %mul3A_883 : i32
      %add3A_885 = arith.constant 192 : i32
      %add3A_886 = arith.addi %mul3A_884, %add3A_885 : i32
      %swap3A_887 = arith.index_cast %add3A_886 : i32 to index
      %swap3A_888 = tpu.vector_load %arg8[%swap3A_887] {strides = array<i32>} : memref<24576xi32, #tpu.memory_space<vmem>>, vector<16xi32>,
      tpu.vector_store %arg8[%swap3A_887], %add3A_880 {strides = array<i32>} : memref<24576xi32, #tpu.memory_space<vmem>>, vector<16xi32>,
      %broadcast_in_dim3A_889 = arith.constant 13 : i32
      %broadcast_in_dim3A_890 = vector.broadcast %broadcast_in_dim3A_889 : i32 to vector<16x1xi32>
      %gather3A_891 = vector.shape_cast %broadcast_in_dim3A_890 : vector<16x1xi32> to vector<16xi32>
      %gather3A_892 = tpu.dynamic_gather %add3A_719[%gather3A_891] in [0] : vector<16xi32>, vector<16xi32> -> vector<16xi32>
      %add3A_893 = arith.addi %gather3A_892, %add3A_688 : vector<16xi32>
      %mul3A_894 = arith.constant 16 : i32
      %mul3A_895 = arith.muli %scan3A_696, %mul3A_894 : i32
      %mul3A_896 = arith.constant 16 : i32
      %mul3A_897 = arith.muli %mul3A_895, %mul3A_896 : i32
      %add3A_898 = arith.constant 208 : i32
      %add3A_899 = arith.addi %mul3A_897, %add3A_898 : i32
      %swap3A_900 = arith.index_cast %add3A_899 : i32 to index
      %swap3A_901 = tpu.vector_load %arg8[%swap3A_900] {strides = array<i32>} : memref<24576xi32, #tpu.memory_space<vmem>>, vector<16xi32>,
      tpu.vector_store %arg8[%swap3A_900], %add3A_893 {strides = array<i32>} : memref<24576xi32, #tpu.memory_space<vmem>>, vector<16xi32>,
      %broadcast_in_dim3A_902 = arith.constant 14 : i32
      %broadcast_in_dim3A_903 = vector.broadcast %broadcast_in_dim3A_902 : i32 to vector<16x1xi32>
      %gather3A_904 = vector.shape_cast %broadcast_in_dim3A_903 : vector<16x1xi32> to vector<16xi32>
      %gather3A_905 = tpu.dynamic_gather %add3A_719[%gather3A_904] in [0] : vector<16xi32>, vector<16xi32> -> vector<16xi32>
      %add3A_906 = arith.addi %gather3A_905, %add3A_688 : vector<16xi32>
      %mul3A_907 = arith.constant 16 : i32
      %mul3A_908 = arith.muli %scan3A_696, %mul3A_907 : i32
      %mul3A_909 = arith.constant 16 : i32
      %mul3A_910 = arith.muli %mul3A_908, %mul3A_909 : i32
      %add3A_911 = arith.constant 224 : i32
      %add3A_912 = arith.addi %mul3A_910, %add3A_911 : i32
      %swap3A_913 = arith.index_cast %add3A_912 : i32 to index
      %swap3A_914 = tpu.vector_load %arg8[%swap3A_913] {strides = array<i32>} : memref<24576xi32, #tpu.memory_space<vmem>>, vector<16xi32>,
      tpu.vector_store %arg8[%swap3A_913], %add3A_906 {strides = array<i32>} : memref<24576xi32, #tpu.memory_space<vmem>>, vector<16xi32>,
      %broadcast_in_dim3A_915 = arith.constant 15 : i32
      %broadcast_in_dim3A_916 = vector.broadcast %broadcast_in_dim3A_915 : i32 to vector<16x1xi32>
      %gather3A_917 = vector.shape_cast %broadcast_in_dim3A_916 : vector<16x1xi32> to vector<16xi32>
      %gather3A_918 = tpu.dynamic_gather %add3A_719[%gather3A_917] in [0] : vector<16xi32>, vector<16xi32> -> vector<16xi32>
      %add3A_919 = arith.addi %gather3A_918, %add3A_688 : vector<16xi32>
      %mul3A_920 = arith.constant 16 : i32
      %mul3A_921 = arith.muli %scan3A_696, %mul3A_920 : i32
      %mul3A_922 = arith.constant 16 : i32
      %mul3A_923 = arith.muli %mul3A_921, %mul3A_922 : i32
      %add3A_924 = arith.constant 240 : i32
      %add3A_925 = arith.addi %mul3A_923, %add3A_924 : i32
      %swap3A_926 = arith.index_cast %add3A_925 : i32 to index
      %swap3A_927 = tpu.vector_load %arg8[%swap3A_926] {strides = array<i32>} : memref<24576xi32, #tpu.memory_space<vmem>>, vector<16xi32>,
      tpu.vector_store %arg8[%swap3A_926], %add3A_919 {strides = array<i32>} : memref<24576xi32, #tpu.memory_space<vmem>>, vector<16xi32>,
    }
    %scan3A_693 = arith.constant 96 : i32
    %mul3A_694 = arith.constant 24576 : i32
    %mul3A_695 = arith.muli %add3A, %mul3A_694 : i32
    "tpu.region"() ({
      %run_scoped3A = tpu.sem_alloc : memref<!tpu.dma_semaphore, #tpu.memory_space<semaphore_mem>>
      %dma_start3A_696 = tpu.memref_slice %arg4[%mul3A_695] : memref<786432xi32, #tpu.memory_space<hbm>> -> memref<24576xi32, #tpu.memory_space<hbm>>
      %dma_start3A_697 = tpu.memref_slice %arg4[%mul3A_695] : memref<786432xi32, #tpu.memory_space<hbm>> -> memref<24576xi32, #tpu.memory_space<hbm>>
      tpu.enqueue_dma source(%arg8 : memref<24576xi32, #tpu.memory_space<vmem>>) target(%dma_start3A_697 : memref<24576xi32, #tpu.memory_space<hbm>>) target_semaphore(%run_scoped3A : memref<!tpu.dma_semaphore, #tpu.memory_space<semaphore_mem>>)
      %dma_wait3A_698 = tpu.memref_slice %arg4[%mul3A_695] : memref<786432xi32, #tpu.memory_space<hbm>> -> memref<24576xi32, #tpu.memory_space<hbm>>
      %dma_wait3A_699 = tpu.memref_slice %arg4[%mul3A_695] : memref<786432xi32, #tpu.memory_space<hbm>> -> memref<24576xi32, #tpu.memory_space<hbm>>
      tpu.wait_dma2 semaphore(%run_scoped3A : memref<!tpu.dma_semaphore, #tpu.memory_space<semaphore_mem>>) src(%arg8 : memref<24576xi32, #tpu.memory_space<vmem>>) dst(%dma_wait3A_699 : memref<24576xi32, #tpu.memory_space<hbm>>)
      tpu.yield
    }) : () -> ()
    return
  }
}

#map = affine_map<(d0, d1) -> (0)>
module attributes {stable_mosaic.version = 14 : i64} {
  func.func @_gather_body(%arg0: i32, %arg1: i32, %arg2: memref<17989632xf32, #tpu.memory_space<hbm>>, %arg3: memref<786432xi32, #tpu.memory_space<hbm>>, %arg4: memref<786432xf32, #tpu.memory_space<hbm>>, %arg5: memref<24576xi32, #tpu.memory_space<vmem>>, %arg6: memref<24576xf32, #tpu.memory_space<vmem>>, %arg7: memref<!tpu.dma_semaphore, #tpu.memory_space<semaphore_mem>>) attributes {dimension_semantics = [#tpu.dimension_semantics<core_parallel>, #tpu.dimension_semantics<subcore_parallel>], iteration_bounds = array<i64: 2, 16>, scalar_prefetch = 0 : i64, scratch_operands = 3 : i64, tpu.core_type = #tpu.core_type<sc_vector_subcore>, window_params = [{transform_indices = #map}, {transform_indices = #map}, {transform_indices = #map}]} {
    %mul3A = arith.constant 2 : i32
    %mul3A_0 = arith.muli %arg1, %mul3A : i32
    %add3A = arith.addi %mul3A_0, %arg0 : i32
    %mul3A_1 = arith.constant 24576 : i32
    %mul3A_2 = arith.muli %add3A, %mul3A_1 : i32
    "tpu.region"() ({
      %run_scoped3A = tpu.sem_alloc : memref<!tpu.dma_semaphore, #tpu.memory_space<semaphore_mem>>
      %dma_start3A_7 = tpu.memref_slice %arg3[%mul3A_2] : memref<786432xi32, #tpu.memory_space<hbm>> -> memref<24576xi32, #tpu.memory_space<hbm>>
      %dma_start3A_8 = tpu.memref_slice %arg3[%mul3A_2] : memref<786432xi32, #tpu.memory_space<hbm>> -> memref<24576xi32, #tpu.memory_space<hbm>>
      tpu.enqueue_dma source(%dma_start3A_8 : memref<24576xi32, #tpu.memory_space<hbm>>) target(%arg5 : memref<24576xi32, #tpu.memory_space<vmem>>) target_semaphore(%run_scoped3A : memref<!tpu.dma_semaphore, #tpu.memory_space<semaphore_mem>>)
      %dma_wait3A_9 = tpu.memref_slice %arg3[%mul3A_2] : memref<786432xi32, #tpu.memory_space<hbm>> -> memref<24576xi32, #tpu.memory_space<hbm>>
      %dma_wait3A_10 = tpu.memref_slice %arg3[%mul3A_2] : memref<786432xi32, #tpu.memory_space<hbm>> -> memref<24576xi32, #tpu.memory_space<hbm>>
      tpu.wait_dma2 semaphore(%run_scoped3A : memref<!tpu.dma_semaphore, #tpu.memory_space<semaphore_mem>>) src(%dma_wait3A_10 : memref<24576xi32, #tpu.memory_space<hbm>>) dst(%arg5 : memref<24576xi32, #tpu.memory_space<vmem>>)
      tpu.yield
    }) : () -> ()
    %dma_start3A = arith.constant 0 : i32
    %dma_start3A_3 = tpu.memref_slice %arg2[%dma_start3A] : memref<17989632xf32, #tpu.memory_space<hbm>> -> memref<17989632xf32, #tpu.memory_space<hbm>>
    tpu.enqueue_indirect_dma source(%dma_start3A_3 : memref<17989632xf32, #tpu.memory_space<hbm>>) target(%arg6 : memref<24576xf32, #tpu.memory_space<vmem>>) offsets(%arg5 : memref<24576xi32, #tpu.memory_space<vmem>>) semaphore(%arg7 : memref<!tpu.dma_semaphore, #tpu.memory_space<semaphore_mem>>)
    %dma_wait3A = arith.constant 0 : i32
    %dma_wait3A_4 = tpu.memref_slice %arg2[%dma_wait3A] : memref<17989632xf32, #tpu.memory_space<hbm>> -> memref<17989632xf32, #tpu.memory_space<hbm>>
    tpu.wait_indirect_dma semaphore(%arg7 : memref<!tpu.dma_semaphore, #tpu.memory_space<semaphore_mem>>) src(%dma_wait3A_4 : memref<17989632xf32, #tpu.memory_space<hbm>>) dst(%arg6 : memref<24576xf32, #tpu.memory_space<vmem>>)
    %mul3A_5 = arith.constant 24576 : i32
    %mul3A_6 = arith.muli %add3A, %mul3A_5 : i32
    "tpu.region"() ({
      %run_scoped3A = tpu.sem_alloc : memref<!tpu.dma_semaphore, #tpu.memory_space<semaphore_mem>>
      %dma_start3A_7 = tpu.memref_slice %arg4[%mul3A_6] : memref<786432xf32, #tpu.memory_space<hbm>> -> memref<24576xf32, #tpu.memory_space<hbm>>
      %dma_start3A_8 = tpu.memref_slice %arg4[%mul3A_6] : memref<786432xf32, #tpu.memory_space<hbm>> -> memref<24576xf32, #tpu.memory_space<hbm>>
      tpu.enqueue_dma source(%arg6 : memref<24576xf32, #tpu.memory_space<vmem>>) target(%dma_start3A_8 : memref<24576xf32, #tpu.memory_space<hbm>>) target_semaphore(%run_scoped3A : memref<!tpu.dma_semaphore, #tpu.memory_space<semaphore_mem>>)
      %dma_wait3A_9 = tpu.memref_slice %arg4[%mul3A_6] : memref<786432xf32, #tpu.memory_space<hbm>> -> memref<24576xf32, #tpu.memory_space<hbm>>
      %dma_wait3A_10 = tpu.memref_slice %arg4[%mul3A_6] : memref<786432xf32, #tpu.memory_space<hbm>> -> memref<24576xf32, #tpu.memory_space<hbm>>
      tpu.wait_dma2 semaphore(%run_scoped3A : memref<!tpu.dma_semaphore, #tpu.memory_space<semaphore_mem>>) src(%arg6 : memref<24576xf32, #tpu.memory_space<vmem>>) dst(%dma_wait3A_10 : memref<24576xf32, #tpu.memory_space<hbm>>)
      tpu.yield
    }) : () -> ()
    return
  }
}

module attributes {stable_mosaic.version = 14 : i64} {
  func.func @_retile_body(%arg0: i32, %arg1: i32, %arg2: memref<8x124928xf32, #tpu.memory_space<vmem>>, %arg3: memref<7808x128xf32, #tpu.memory_space<vmem>>) attributes {dimension_semantics = [#tpu.dimension_semantics<arbitrary>, #tpu.dimension_semantics<arbitrary>], iteration_bounds = array<i64: 2, 9>, scalar_prefetch = 0 : i64, scratch_operands = 0 : i64, tpu.core_type = #tpu.core_type<tc>, window_params = [{transform_indices = @transform_0, window_bounds = array<i64: 8, 124928>}, {transform_indices = @transform_1, window_bounds = array<i64: 7808, 128>}]} {
    %get3A = arith.constant 0 : index
    %get3A_0 = arith.constant 0 : index
    %get3A_1 = vector.load %arg2[%get3A, %get3A_0] : memref<8x124928xf32, #tpu.memory_space<vmem>>, vector<8x124928xf32>
    %reshape3A = vector.shape_cast %get3A_1 : vector<8x124928xf32> to vector<8x976x128xf32>
    %transpose3A = tpu.transpose %reshape3A, [1, 0, 2] : vector<8x976x128xf32> -> vector<976x8x128xf32>
    %reshape3A_2 = vector.shape_cast %transpose3A : vector<976x8x128xf32> to vector<7808x128xf32>
    %swap3A = arith.constant 0 : index
    %swap3A_3 = arith.constant 0 : index
    %swap3A_4 = vector.load %arg3[%swap3A, %swap3A_3] : memref<7808x128xf32, #tpu.memory_space<vmem>>, vector<7808x128xf32>
    tpu.vector_store %arg3[%swap3A, %swap3A_3], %reshape3A_2 {strides = array<i32>} : memref<7808x128xf32, #tpu.memory_space<vmem>>, vector<7808x128xf32>,
    return
  }
  func.func @transform_0(%arg0: i32, %arg1: i32) -> (i32, i32) {
    %c0_i32 = arith.constant 0 : i32
    return %arg0, %arg1 : i32, i32
  }
  func.func @transform_1(%arg0: i32, %arg1: i32) -> (i32, i32) {
    %mul3A = arith.constant 2 : i32
    %mul3A_0 = arith.muli %arg1, %mul3A : i32
    %add3A = arith.addi %mul3A_0, %arg0 : i32
    %c0_i32 = arith.constant 0 : i32
    %c0_i32_1 = arith.constant 0 : i32
    return %add3A, %c0_i32 : i32, i32
  }
}

</mosaic_0001>

<sc_bundles>
// kernel: kernel.5.cloned.1.call-start
scs
__scs_entry_jumppad:
0x0: {  	(pc) =	sbr.rel $0x88, $3  }
0x1: {  	(tag) =	ssettag $0x0;
	lr =	simm.s32 $0x1  }
0x2: {  	[smem:$0x3F9E] =	sst lr;
	_ =	strace $0xD0000000  }
0x3: {  	_ = 	snop  }
0x4: {  	_ = 	snop  }
0x5: {  	_ = 	snop  }
0x6: {  	_ = 	snop  }
0x7: {  	_ = 	snop  }
__scs_overlays_trampoline_lowered:
0x8: {  	[smem:$0x3FAD] =	sst s0  }
0x9: {  	[smem:$0x3FAE] =	sst s1  }
0xa: {  	[smem:$0x3FAF] =	sst s2  }
0xb: {  	[smem:$0x3FB0] =	sst s3  }
0xc: {  	[smem:$0x3FB1] =	sst s4  }
0xd: {  	[smem:$0x3FB2] =	sst s5  }
0xe: {  	[smem:$0x3FB3] =	sst s6  }
0xf: {  	[smem:$0x3FB4] =	sst s7  }
0x10: {  	[smem:$0x3FB5] =	sst s8  }
0x11: {  	[smem:$0x3FB6] =	sst s9;
	s0 =	simm.s32 @!p0 $0x0  }
0x12: {  	s1 =	sld [smem:$0x3F9C];
	s0 =	simm.s32 @p0 $0x1  }
0x13: {  	[smem:$0x3FB7] =	sst s0;
	s0 =	simm.s32 @!p1 $0x0  }
0x14: {  	s2 =	sld [smem:$0x3F9B];
	s0 =	simm.s32 @p1 $0x1  }
0x15: {  	[smem:$0x3FB8] =	sst s0;
	s0 =	simm.s32 @!p2 $0x0  }
0x16: {  	s3 =	sld [smem:$0x3FDB];
	s0 =	simm.s32 @p2 $0x1  }
0x17: {  	s4 =	simm.s32 $0x1BF5;
	[smem:$0x3FBA] =	sst s0  }
0x18: {  	s0 =	sld [smem:$0x3F9D];
	_ =	swait.ge [sflag:s4], $0x0  }
0x19: {  	s7 =	sld [smem:$0x3F9E]  }
0x1a: {  	s8 =	sadd.s32 $0xFFFFE003, lr  }
0x1b: {  	s9 =	sadd.s32 $0xFFFFFEF7, lr;
	s5 =	simm.s32 $0xFFFFFFFF;
	p2 =	slt.u32 s8, $0xFFFFF086  }
0x1c: {  	p1 =	slt.u32 s9, $0xF7A;
	s5 =	simm.s32 @!p2 $0x0  }
0x1d: {  	s5 =	simm.s32 @p1 $0x1;
	p0 =	seq.s32 s7, s2  }
0x1e: {  	s7 =	smul.u32 @!p0 $0xF7A, s2;
	p2 =	seq.s32 @!p0 s5, $0x0  }
0x1f: {  	s9 =	smul.u32 $0xF7A, s1;
	s8 =	simm.s32 @!p0 $0x1BF5;
	p2 =	por !p2, p0  }
0x20: {  	[sflag:s8] =	ssyncset.s32 @!p0 $0xFFFFF086;
	s6 =	sadd.s32 @!p0 s3, s7;
	s7 =	simm.s32 @!p0 $0x108  }
0x21: {  	s3 =	sadd.s32 s3, s9;
	s6 =	sadd.s32 @!p0 $0x88, s6;
	s7 =	simm.s32 @p2 $0x1082  }
0x22: {  	[simem:s7], [sflag:s8] =	dma.local @!p0 [hbm:s6], $0xF7A  }
0x23: {  	s9 =	sor.u32 $0xD0000000, s2;
	s6 =	simm.s32 $0x108;
	_ =	swait.ge @!p0 [sflag:s8], $0x0  }
0x24: {  	s3 =	sadd.s32 $0x88, s3;
	s6 =	simm.s32 @!p1 $0x1082;
	[sflag:s4] =	ssyncset.s32 $0xFFFFF086  }
0x25: {  	[simem:s6], [sflag:s4] =	dma.local [hbm:s3], $0xF7A  }
0x26: {  	[smem:$0x3F9E] =	sst s1;
	(tag) =	ssettag s2;
	_ =	strace s9  }
0x27: {  	s1 =	sld [smem:$0x3FAE]  }
0x28: {  	s2 =	sld [smem:$0x3FAF]  }
0x29: {  	s4 =	sld [smem:$0x3FB1]  }
0x2a: {  	p0 =	seq.s32 s5, $0x0;
	s5 =	sld [smem:$0x3FB2]  }
0x2b: {  	s6 =	sld [smem:$0x3FB3]  }
0x2c: {  	s7 =	sld [smem:$0x3FB4]  }
0x2d: {  	s3 =	simm.s32 $0x108;
	s8 =	sld [smem:$0x3FB5]  }
0x2e: {  	s3 =	simm.s32 @!p0 $0x1082;
	s9 =	sld [smem:$0x3FB6]  }
0x2f: {  	lr =	sadd.s32 s0, s3;
	s0 =	sld [smem:$0x3FAD]  }
0x30: {  	s3 =	sld [smem:$0x3FB0]  }
0x31: {  	[smem:$0x3FB9] =	sst s10  }
0x32: {  	s10 =	sld [smem:$0x3FB7];
	_ =	sdelay $0x3  }
0x33: {  	p0 =	seq.s32 s10, $0x1;
	s10 =	sld [smem:$0x3FB9];
	_ =	sdelay $0x3  }
0x34: {  	[smem:$0x3FB9] =	sst s10  }
0x35: {  	s10 =	sld [smem:$0x3FB8];
	_ =	sdelay $0x3  }
0x36: {  	p1 =	seq.s32 s10, $0x1;
	s10 =	sld [smem:$0x3FB9];
	_ =	sdelay $0x3  }
0x37: {  	[smem:$0x3FB9] =	sst s10  }
0x38: {  	s10 =	sld [smem:$0x3FBA]  }
0x39: {  	_ = 	snop;
	(pc) =	sbr.ind lr, $3  }
0x3a: {  	_ = 	snop  }
0x3b: {  	_ = 	snop  }
0x3c: {  	p2 =	seq.s32 s10, $0x1;
	s10 =	sld [smem:$0x3FB9]  }
0x3d: {  	_ =	shalt  }
0x3e: {  	_ =	shalt  }
0x3f: {  	_ =	shalt  }
0x40: {  	_ =	shalt  }
0x41: {  	_ =	shalt  }
0x42: {  	_ =	shalt  }
0x43: {  	_ =	shalt  }
0x44: {  	_ =	shalt  }
0x45: {  	_ =	shalt  }
0x46: {  	_ =	shalt  }
0x47: {  	_ =	shalt  }
0x48: {  	_ =	shalt  }
0x49: {  	_ =	shalt  }
0x4a: {  	_ =	shalt  }
0x4b: {  	_ =	shalt  }
0x4c: {  	_ =	shalt  }
0x4d: {  	_ =	shalt  }
0x4e: {  	_ =	shalt  }
0x4f: {  	_ =	shalt  }
0x50: {  	_ =	shalt  }
0x51: {  	_ =	shalt  }
0x52: {  	_ =	shalt  }
0x53: {  	_ =	shalt  }
0x54: {  	_ =	shalt  }
0x55: {  	_ =	shalt  }
0x56: {  	_ =	shalt  }
0x57: {  	_ =	shalt  }
0x58: {  	_ =	shalt  }
0x59: {  	_ =	shalt  }
0x5a: {  	_ =	shalt  }
0x5b: {  	_ =	shalt  }
0x5c: {  	_ =	shalt  }
0x5d: {  	_ =	shalt  }
0x5e: {  	_ =	shalt  }
0x5f: {  	_ =	shalt  }
0x60: {  	_ =	shalt  }
0x61: {  	_ =	shalt  }
0x62: {  	_ =	shalt  }
0x63: {  	_ =	shalt  }
0x64: {  	_ =	shalt  }
0x65: {  	_ =	shalt  }
0x66: {  	_ =	shalt  }
0x67: {  	_ =	shalt  }
0x68: {  	_ =	shalt  }
0x69: {  	_ =	shalt  }
0x6a: {  	_ =	shalt  }
0x6b: {  	_ =	shalt  }
0x6c: {  	_ =	shalt  }
0x6d: {  	_ =	shalt  }
0x6e: {  	_ =	shalt  }
0x6f: {  	_ =	shalt  }
0x70: {  	_ =	shalt  }
0x71: {  	_ =	shalt  }
0x72: {  	_ =	shalt  }
0x73: {  	_ =	shalt  }
0x74: {  	_ =	shalt  }
0x75: {  	_ =	shalt  }
0x76: {  	_ =	shalt  }
0x77: {  	_ =	shalt  }
0x78: {  	_ =	shalt  }
0x79: {  	_ =	shalt  }
0x7a: {  	_ =	shalt  }
0x7b: {  	_ =	shalt  }
0x7c: {  	_ =	shalt  }
0x7d: {  	_ =	shalt  }
0x7e: {  	_ =	shalt  }
0x7f: {  	_ =	shalt  }
0x80: {  	_ =	shalt  }
0x81: {  	_ =	shalt  }
0x82: {  	_ =	shalt  }
0x83: {  	_ =	shalt  }
0x84: {  	_ =	shalt  }
0x85: {  	_ =	shalt  }
0x86: {  	_ =	shalt  }
0x87: {  	_ =	shalt  }
.Lfunc_end0:
.L_simem_size_0:
called_computation_lowered:
.L_overlay_start_0:
0x88: {  	s2 =	sld [smem:$0x3FD9]  }
0x89: {  	s3 =	sld [smem:$0x3FFE];
	_ =	sdelay $0x1  }
0x8a: {  	s1 =	srdreg.scid  }
0x8b: {  	s0 =	sand.u32 $0x1, s1  }
0x8c: {  	s17 =	sshll.u32 s0, $0xA;
	s2 =	sadd.s32 s3, s2  }
0x8d: {  	s2 =	sadd.s32 s2, s17  }
0x8e: {  	[smem:$0x3FC5] =	sst s2  }
0x8f: {  	_ = 	snop  }
0x90: {  	s2 =	sld [smem:$0x3FC9]  }
0x91: {  	s18 =	sld [smem:$0x3FD0];
	(tm) =	ssettm $0x1  }
0x92: {  	s4 =	sld [smem:$0x3FFB];
	_ =	sdelay $0x3  }
0x93: {  	_ =	strace s4  }
0x94: {  	s4 =	sld [smem:$0x3FFC];
	_ =	sdelay $0x3  }
0x95: {  	_ =	strace s4  }
0x96: {  	s4 =	sld [smem:$0x3FFD];
	_ =	sdelay $0x3  }
0x97: {  	_ =	strace s4  }
0x98: {  	_ =	strace $0x8FFFFFFF  }
0x99: {  	s19 =	sld [smem:$0x3FDB];
	_ =	sdelay $0x1  }
0x9a: {  	s5 =	simm.s32 $_scs_section_size  }
0x9b: {  	s6 =	simm.s32 $_size__tile_overlayer_lowered;
	s7 =	simm.s32 $_tile_overlayer_lowered  }
0x9c: {  	s22 =	simm.s32 $0x1BFF;
	s21 =	sshll.u32 s7, $0x1;
	s4 =	sadd.s32 s5, s19  }
0x9d: {  	s8 =	simm.s32 $0x0;
	s20 =	sshll.u32 s6, $0x1;
	s6 =	sadd.s32 s21, s4  }
0x9e: {  	[timem:s8], [sflag:s22] =	dma.local [hbm:s6], s20  }
0x9f: {  	_ =	swait.ge [sflag:s22], s20  }
0xa0: {  	s5 =	ssub.s32 $0x0, s20;
	[sflag:s22] =	ssyncset.done $0x0  }
0xa1: {  	[sflag:s22] =	ssyncadd.s32 s5;
	_ =	sdelay $0x1  }
0xa2: {  	s23 =	simm.s32 $0x1B8B  }
0xa3: {  	_ =	swait.ge [sflag:s23], $0x1  }
0xa4: {  	[sflag:s23] =	ssyncset.done $0x0  }
0xa5: {  	s25 =	simm.s32 $0x1B8E;
	s24 =	sld [smem:$0x3FFE];
	[sflag:s23] =	ssyncadd.s32 $0xFFFFFFFF  }
0xa6: {  	s26 =	simm.s32 $execute0_lowered;
	[smem:$0x3FD2] =	sst s25  }
0xa7: {  	s6 =	sshll.u32 s26, $0x1;
	_ =	strace $0x80000046;
	[dreg:$0x1] =	wrdreg $0xFFFFFFFF  }
0xa8: {  	s28 =	simm.s32 $_size_execute0_lowered;
	s4 =	sadd.s32 s4, s6;
	[dreg:$0x0] =	wrdreg $0x0  }
0xa9: {  	s6 =	sshll.u32 s28, $0x1;
	[dreg:$0x2] =	wrdreg s4  }
0xaa: {  	[dreg:$0x3] =	wrdreg s6  }
0xab: {  	[dreg:$0x4] =	wrdreg $0xC0  }
0xac: {  	_ =	task [dreg:s8], $0x5FFFF  }
0xad: {  	[dreg:$0x1] =	wrdreg $0xFFFFFFFF  }
0xae: {  	[dreg:$0x0] =	wrdreg $0x60  }
0xaf: {  	[dreg:$0x2] =	wrdreg s18  }
0xb0: {  	[dreg:$0x3] =	wrdreg s2  }
0xb1: {  	[dreg:$0x4] =	wrdreg s24  }
0xb2: {  	[dreg:$0x5] =	wrdreg $0x9  }
0xb3: {  	_ =	task.clear_ibuf [dreg:s8], $0x6FFFF;
	_ =	strace $0x90000046  }
0xb4: {  	s29 =	simm.s32 $0x9;
	_ =	strace $0x80000048  }
0xb5: {  	_ =	swait.ge [sflag:s29], $0x1  }
0xb6: {  	[sflag:s29] =	ssyncadd.s32 $0xFFFFFFFF  }
0xb7: {  	_ =	strace $0x90000048  }
0xb8: {  	_ =	sfence  }
0xb9: {  	s30 =	sld [smem:$0x0];
	_ =	sdelay $0x2  }
0xba: {  	s31 =	sshll.u32 s1, $0xD;
	s1 =	sshrl.u32 s1, $0x2  }
0xbb: {  	s3 =	sand.u32 $0x4000, s31;
	s1 =	sadd.s32 s1, s30  }
0xbc: {  	s0 =	sor.u32 s3, s0;
	s1 =	sshll.u32 s1, $0x11  }
0xbd: {  	s0 =	sor.u32 s1, s0  }
0xbe: {  	s0 =	sadd.s32 $0x8F2B, s0  }
0xbf: {  	[sflag:s0] =	ssyncadd.remote.s32 $0x1  }
0xc0: {  	_ =	sfence.sel $0xFFFF  }
0xc1: {  	[dreg:$0x0] =	wrdreg $0xFFFFFFFF;
	(pc) =	sbr.abs _section_cstart, $3  }
0xc2: {  	[dreg:$0x1] =	wrdreg $0xFFFFFFFF  }
0xc3: {  	_ =	task.clear_ibuf [dreg:s8], $0x2FFFF;
	_ =	strace $0x9FFFFFFF  }
0xc4: {  	(tm) =	ssettm $0x7FFFFFFF  }
0xc5: {  	_ =	shalt  }
tec
execute0_lowered:
.L_overlay_start_1:
0x0: {  	(tag) =	ssettag $0x1  }
0x1: {  	vm0 =	vcmask $0x300;
	v0 =	vimm.s32 $0xF4380  }
0x2: {  	vm1 =	vcmask $0x704;
	vm2 =	vcmask $0xB08;
	vm3 =	vcmask $0xF0C  }
0x3: {  	vm4 =	vcmask $0x1310;
	vm5 =	vcmask $0x1714;
	vm6 =	vcmask $0x1B18  }
0x4: {  	vm7 =	vcmask $0x1F1C;
	vm8 =	vcmask $0x2320;
	v0 =	vsel vm0, $0x0, v0  }
0x5: {  	v3 =	vimm.s32 $0xECA86420;
	vm9 =	vcmask $0x2724;
	v0 =	vsel vm1, $0x80, v0  }
0x6: {  	vm10 =	vcmask $0x2B28;
	vm11 =	vcmask $0x2F2C;
	v0 =	vsel vm2, $0x100, v0  }
0x7: {  	vm12 =	vcmask $0x3330;
	vm13 =	vcmask $0x3B38;
	v0 =	vsel vm3, $0x180, v0  }
0x8: {  	vm14 =	vcmask $0x3734;
	vm15 =	vmmov $0xff;
	v0 =	vsel vm4, $0x200, v0  }
0x9: {  	v7 =	vimm.s32 $0x1;
	v8 =	vimm.s32 $0x2;
	v1 =	vsel vm5, $0x280, v0  }
0xa: {  	s0 =	rddreg [dreg:$0x1];
	s1 =	srdreg.scid;
	v9 =	vimm.s32 $0x4;
	v10 =	vimm.s32 $0x5;
	v2 =	vsel vm6, $0x300, v1  }
0xb: {  	s3 =	stileid.u32;
	s2 =	rddreg [dreg:$0x2];
	v11 =	vimm.s32 $0x6;
	v12 =	vimm.s32 $0x7;
	v2 =	vsel vm7, $0x380, v2  }
0xc: {  	v13 =	vimm.s32 $0x8;
	v14 =	vimm.s32 $0xA;
	s1 =	sand.u32 $0x1, s1;
	s4 =	sshll.u32 s3, $0x1;
	s3 =	simm.s32 $0x0;
	v2 =	vsel vm8, $0xF4000, v2  }
0xd: {  	v15 =	vimm.s32 $0xB;
	v16 =	vimm.s32 $0xC;
	s4 =	sor.u32 s1, s4;
	[smem:$0x7FF] =	sst s3;
	s1 =	ssub.s32 $0x2, s1;
	v4 =	vsel vm9, $0xF4080, v2  }
0xe: {  	v17 =	vimm.s32 $0xD;
	v3 =	vunpack.c.l.s4.s8 v3;
	s5 =	smul.u32 $0xC00, s4;
	s6 =	sshrl.u32 s1, $0x1;
	s4 =	sshll.u32 s4, $0x6;
	v4 =	vsel vm10, $0xF4100, v4  }
0xf: {  	v18 =	vimm.s32 $0xE;
	v19 =	vimm.s32 $0xF;
	_ =	strace $0x80000047;
	s1 =	ssub.s32 s1, s6;
	s0 =	sadd.s32 s0, s4;
	v4 =	vsel vm11, $0xF4180, v4  }
0x10: {  	v3 =	vunpack.c.0.s8.s32 v3;
	s2 =	sadd.s32 s5, s2;
	[dreg:$0xa] =	wrdreg s0;
	s31 =	smax.u32 s1, $0x1;
	v0 =	vlaneseq.u32;
	v5 =	vsel vm12, $0xF4200, v4  }
0x11: {  	s10 =	simm.s32 $0x800;
	s30 =	sadd.s32 $0x800, s2;
	[dreg:$0xc] =	wrdreg s31;
	v1 =	vimm.s32 $0x3;
	v2 =	vimm.s32 $0x9;
	v6 =	vsel vm14, $0xF4280, v5  }
0x12: {  	s1 =	simm.s32 $0x2;
	s2 =	simm.s32 $0x0;
	[dreg:$0xb] =	wrdreg s30;
	v4 =	vmul.u32 $0x2, v0;
	v5 =	vimm.s32 $0x0;
	v6 =	vsel vm13, $0xF4300, v6  }
.LBB2_1:
0x13: {  	[dreg:$0xd] =	wrdreg s2  }
0x14: {  	s0 =	rddreg [dreg:$0xa]  }
0x15: {  	[tilespmem:s3], [sflag:$0x2] =	stream.linear.gather [hbm4b:s0+s3], $0x200, $0x38;
	[tilespmem:$0x6E00] =	vst v63  }
0x16: {  	_ =	swait.ge [sflag:s1], $0x200  }
0x17: {  	[sflag:s1] =	ssyncset.done $0x0  }
0x18: {  	[sflag:s1] =	ssyncadd.s32 $0xFFFFFE00  }
0x19: {  	v20 =	vld [tilespmem:$0x0]  }
0x1a: {  	v21 =	vld [tilespmem:$0x10]  }
0x1b: {  	v22 =	vld [tilespmem:$0x20]  }
0x1c: {  	v23 =	vld [tilespmem:$0x30]  }
0x1d: {  	v24 =	vld [tilespmem:$0x40]  }
0x1e: {  	v25 =	vld [tilespmem:$0x50]  }
0x1f: {  	v57 =	vld [tilespmem:$0xA0];
	[tilespmem:$0x200] =	vst v20  }
0x20: {  	v58 =	vld [tilespmem:$0xB0];
	[tilespmem:$0x210] =	vst v21  }
0x21: {  	v59 =	vld [tilespmem:$0x100];
	[tilespmem:$0x220] =	vst v22  }
0x22: {  	v60 =	vld [tilespmem:$0x110];
	[tilespmem:$0x230] =	vst v23  }
0x23: {  	v20 =	vld [tilespmem:$0x60];
	[tilespmem:$0x240] =	vst v24  }
0x24: {  	v21 =	vld [tilespmem:$0x70];
	[tilespmem:$0x250] =	vst v25  }
0x25: {  	v22 =	vld [tilespmem:$0x80];
	[tilespmem:$0x2A0] =	vst v57  }
0x26: {  	v23 =	vld [tilespmem:$0x90];
	[tilespmem:$0x2B0] =	vst v58  }
0x27: {  	v61 =	vld [tilespmem:$0x160];
	[tilespmem:$0x300] =	vst v59  }
0x28: {  	[tilespmem:$0x260] =	vst v20;
	v20 =	vld [tilespmem:$0xC0]  }
0x29: {  	[tilespmem:$0x270] =	vst v21;
	v21 =	vld [tilespmem:$0xD0]  }
0x2a: {  	[tilespmem:$0x280] =	vst v22;
	v22 =	vld [tilespmem:$0xE0]  }
0x2b: {  	[tilespmem:$0x290] =	vst v23;
	v23 =	vld [tilespmem:$0xF0]  }
0x2c: {  	v62 =	vld [tilespmem:$0x170];
	[tilespmem:$0x310] =	vst v60  }
0x2d: {  	[tilespmem:$0x2C0] =	vst v20;
	v20 =	vld [tilespmem:$0x120]  }
0x2e: {  	[tilespmem:$0x2D0] =	vst v21;
	v21 =	vld [tilespmem:$0x130]  }
0x2f: {  	[tilespmem:$0x2E0] =	vst v22;
	v22 =	vld [tilespmem:$0x140]  }
0x30: {  	[tilespmem:$0x2F0] =	vst v23;
	v23 =	vld [tilespmem:$0x150]  }
0x31: {  	v63 =	vld [tilespmem:$0x1C0];
	[tilespmem:$0x360] =	vst v61  }
0x32: {  	[tilespmem:$0x320] =	vst v20;
	v20 =	vld [tilespmem:$0x180]  }
0x33: {  	[tilespmem:$0x330] =	vst v21;
	v21 =	vld [tilespmem:$0x190]  }
0x34: {  	[tilespmem:$0x340] =	vst v22;
	v22 =	vld [tilespmem:$0x1A0]  }
0x35: {  	[tilespmem:$0x350] =	vst v23;
	v23 =	vld [tilespmem:$0x1B0]  }
0x36: {  	v28 =	vld [tilespmem:$0x1D0];
	[tilespmem:$0x370] =	vst v62  }
0x37: {  	[tilespmem:$0x380] =	vst v20;
	v20 =	vld [tilespmem:$0x1E0]  }
0x38: {  	[tilespmem:$0x390] =	vst v21;
	v21 =	vld [tilespmem:$0x1F0]  }
0x39: {  	[tilespmem:$0x3A0] =	vst v22;
	v22 =	vld [tilespmem:$0x0]  }
0x3a: {  	[tilespmem:$0x3B0] =	vst v23;
	v23 =	vld [tilespmem:$0x10]  }
0x3b: {  	v29 =	vld [tilespmem:$0x20];
	[tilespmem:$0x3C0] =	vst v63  }
0x3c: {  	v30 =	vld [tilespmem:$0x30];
	[tilespmem:$0x3D0] =	vst v28  }
0x3d: {  	[tilespmem:$0x3E0] =	vst v20;
	v20 =	vld [tilespmem:$0x40]  }
0x3e: {  	[tilespmem:$0x3F0] =	vst v21;
	v21 =	vadd.s32 $0x186A0, v22;
	v22 =	vld [tilespmem:$0x50]  }
0x3f: {  	[tilespmem:$0x400] =	vst v21;
	v21 =	vadd.s32 $0x186A0, v23;
	v23 =	vld [tilespmem:$0x60]  }
0x40: {  	v31 =	vld [tilespmem:$0x70];
	[tilespmem:$0x410] =	vst v21;
	v21 =	vadd.s32 $0x186A0, v29  }
0x41: {  	v32 =	vld [tilespmem:$0x80];
	[tilespmem:$0x420] =	vst v21;
	v21 =	vadd.s32 $0x186A0, v30  }
0x42: {  	[tilespmem:$0x430] =	vst v21;
	v21 =	vld [tilespmem:$0x90];
	v20 =	vadd.s32 $0x186A0, v20  }
0x43: {  	[tilespmem:$0x440] =	vst v20;
	v20 =	vadd.s32 $0x186A0, v22;
	v22 =	vld [tilespmem:$0xA0]  }
0x44: {  	[tilespmem:$0x450] =	vst v20;
	v20 =	vadd.s32 $0x186A0, v23;
	v23 =	vld [tilespmem:$0xB0]  }
0x45: {  	v33 =	vld [tilespmem:$0xC0];
	[tilespmem:$0x460] =	vst v20;
	v20 =	vadd.s32 $0x186A0, v31  }
0x46: {  	v34 =	vld [tilespmem:$0xD0];
	[tilespmem:$0x470] =	vst v20;
	v20 =	vadd.s32 $0x186A0, v32  }
0x47: {  	[tilespmem:$0x480] =	vst v20;
	v20 =	vadd.s32 $0x186A0, v21;
	v21 =	vld [tilespmem:$0xE0]  }
0x48: {  	[tilespmem:$0x490] =	vst v20;
	v20 =	vadd.s32 $0x186A0, v22;
	v22 =	vld [tilespmem:$0xF0]  }
0x49: {  	[tilespmem:$0x4A0] =	vst v20;
	v20 =	vadd.s32 $0x186A0, v23;
	v23 =	vld [tilespmem:$0x100]  }
0x4a: {  	v35 =	vld [tilespmem:$0x110];
	[tilespmem:$0x4B0] =	vst v20;
	v20 =	vadd.s32 $0x186A0, v33  }
0x4b: {  	v36 =	vld [tilespmem:$0x120];
	[tilespmem:$0x4C0] =	vst v20;
	v20 =	vadd.s32 $0x186A0, v34  }
0x4c: {  	[tilespmem:$0x4D0] =	vst v20;
	v20 =	vadd.s32 $0x186A0, v21;
	v21 =	vld [tilespmem:$0x130]  }
0x4d: {  	[tilespmem:$0x4E0] =	vst v20;
	v20 =	vadd.s32 $0x186A0, v22;
	v22 =	vld [tilespmem:$0x140]  }
0x4e: {  	[tilespmem:$0x4F0] =	vst v20;
	v20 =	vadd.s32 $0x186A0, v23;
	v23 =	vld [tilespmem:$0x150]  }
0x4f: {  	v37 =	vld [tilespmem:$0x160];
	[tilespmem:$0x500] =	vst v20;
	v20 =	vadd.s32 $0x186A0, v35  }
0x50: {  	v38 =	vld [tilespmem:$0x170];
	[tilespmem:$0x510] =	vst v20;
	v20 =	vadd.s32 $0x186A0, v36  }
0x51: {  	[tilespmem:$0x520] =	vst v20;
	v20 =	vadd.s32 $0x186A0, v21;
	v21 =	vld [tilespmem:$0x180]  }
0x52: {  	[tilespmem:$0x530] =	vst v20;
	v20 =	vadd.s32 $0x186A0, v22;
	v22 =	vld [tilespmem:$0x190]  }
0x53: {  	[tilespmem:$0x540] =	vst v20;
	v20 =	vadd.s32 $0x186A0, v23;
	v23 =	vld [tilespmem:$0x1A0]  }
0x54: {  	v39 =	vld [tilespmem:$0x1B0];
	[tilespmem:$0x550] =	vst v20;
	v20 =	vadd.s32 $0x186A0, v37  }
0x55: {  	v40 =	vld [tilespmem:$0x1C0];
	[tilespmem:$0x560] =	vst v20;
	v20 =	vadd.s32 $0x186A0, v38  }
0x56: {  	[tilespmem:$0x570] =	vst v20;
	v20 =	vadd.s32 $0x186A0, v21;
	v21 =	vld [tilespmem:$0x1D0]  }
0x57: {  	[tilespmem:$0x580] =	vst v20;
	v20 =	vadd.s32 $0x186A0, v22;
	v22 =	vld [tilespmem:$0x1E0]  }
0x58: {  	[tilespmem:$0x590] =	vst v20;
	v20 =	vadd.s32 $0x186A0, v23;
	v23 =	vld [tilespmem:$0x1F0]  }
0x59: {  	v41 =	vld [tilespmem:$0x0];
	[tilespmem:$0x5A0] =	vst v20;
	v20 =	vadd.s32 $0x186A0, v39  }
0x5a: {  	v42 =	vld [tilespmem:$0x10];
	[tilespmem:$0x5B0] =	vst v20;
	v20 =	vadd.s32 $0x186A0, v40  }
0x5b: {  	[tilespmem:$0x5C0] =	vst v20;
	v20 =	vadd.s32 $0x186A0, v21;
	v21 =	vld [tilespmem:$0x20]  }
0x5c: {  	[tilespmem:$0x5D0] =	vst v20;
	v20 =	vadd.s32 $0x186A0, v22;
	v22 =	vld [tilespmem:$0x30]  }
0x5d: {  	[tilespmem:$0x5E0] =	vst v20;
	v20 =	vadd.s32 $0x186A0, v23;
	v23 =	vld [tilespmem:$0x40]  }
0x5e: {  	v43 =	vld [tilespmem:$0x50];
	[tilespmem:$0x5F0] =	vst v20;
	v20 =	vadd.s32 $0x30D40, v41  }
0x5f: {  	v44 =	vld [tilespmem:$0x60];
	[tilespmem:$0x600] =	vst v20;
	v20 =	vadd.s32 $0x30D40, v42  }
0x60: {  	[tilespmem:$0x610] =	vst v20;
	v20 =	vadd.s32 $0x30D40, v21;
	v21 =	vld [tilespmem:$0x70]  }
0x61: {  	[tilespmem:$0x620] =	vst v20;
	v20 =	vadd.s32 $0x30D40, v22;
	v22 =	vld [tilespmem:$0x80]  }
0x62: {  	[tilespmem:$0x630] =	vst v20;
	v20 =	vadd.s32 $0x30D40, v23;
	v23 =	vld [tilespmem:$0x90]  }
0x63: {  	v45 =	vld [tilespmem:$0xA0];
	[tilespmem:$0x640] =	vst v20;
	v20 =	vadd.s32 $0x30D40, v43  }
0x64: {  	v46 =	vld [tilespmem:$0xB0];
	[tilespmem:$0x650] =	vst v20;
	v20 =	vadd.s32 $0x30D40, v44  }
0x65: {  	[tilespmem:$0x660] =	vst v20;
	v20 =	vadd.s32 $0x30D40, v21;
	v21 =	vld [tilespmem:$0xC0]  }
0x66: {  	[tilespmem:$0x670] =	vst v20;
	v20 =	vadd.s32 $0x30D40, v22;
	v22 =	vld [tilespmem:$0xD0]  }
0x67: {  	[tilespmem:$0x680] =	vst v20;
	v20 =	vadd.s32 $0x30D40, v23;
	v23 =	vld [tilespmem:$0xE0]  }
0x68: {  	v47 =	vld [tilespmem:$0xF0];
	[tilespmem:$0x690] =	vst v20;
	v20 =	vadd.s32 $0x30D40, v45  }
0x69: {  	v48 =	vld [tilespmem:$0x100];
	[tilespmem:$0x6A0] =	vst v20;
	v20 =	vadd.s32 $0x30D40, v46  }
0x6a: {  	[tilespmem:$0x6B0] =	vst v20;
	v20 =	vadd.s32 $0x30D40, v21;
	v21 =	vld [tilespmem:$0x110]  }
0x6b: {  	[tilespmem:$0x6C0] =	vst v20;
	v20 =	vadd.s32 $0x30D40, v22;
	v22 =	vld [tilespmem:$0x120]  }
0x6c: {  	[tilespmem:$0x6D0] =	vst v20;
	v20 =	vadd.s32 $0x30D40, v23;
	v23 =	vld [tilespmem:$0x130]  }
0x6d: {  	v49 =	vld [tilespmem:$0x140];
	[tilespmem:$0x6E0] =	vst v20;
	v20 =	vadd.s32 $0x30D40, v47  }
0x6e: {  	v50 =	vld [tilespmem:$0x150];
	[tilespmem:$0x6F0] =	vst v20;
	v20 =	vadd.s32 $0x30D40, v48  }
0x6f: {  	[tilespmem:$0x700] =	vst v20;
	v20 =	vadd.s32 $0x30D40, v21;
	v21 =	vld [tilespmem:$0x160]  }
0x70: {  	[tilespmem:$0x710] =	vst v20;
	v20 =	vadd.s32 $0x30D40, v22;
	v22 =	vld [tilespmem:$0x170]  }
0x71: {  	[tilespmem:$0x720] =	vst v20;
	v20 =	vadd.s32 $0x30D40, v23;
	v23 =	vld [tilespmem:$0x180]  }
0x72: {  	v51 =	vld [tilespmem:$0x190];
	[tilespmem:$0x730] =	vst v20;
	v20 =	vadd.s32 $0x30D40, v49  }
0x73: {  	v52 =	vld [tilespmem:$0x1A0];
	[tilespmem:$0x740] =	vst v20;
	v20 =	vadd.s32 $0x30D40, v50  }
0x74: {  	[tilespmem:$0x750] =	vst v20;
	v20 =	vadd.s32 $0x30D40, v21;
	v21 =	vld [tilespmem:$0x1B0]  }
0x75: {  	[tilespmem:$0x760] =	vst v20;
	v20 =	vadd.s32 $0x30D40, v22;
	v22 =	vld [tilespmem:$0x1C0]  }
0x76: {  	v26 =	vor.u32 s3, v0;
	[tilespmem:$0x770] =	vst v20;
	v20 =	vadd.s32 $0x30D40, v23;
	v23 =	vld [tilespmem:$0x1D0]  }
0x77: {  	v27 =	vmulhi.u32 $0xAAAAAAAB, v26;
	v53 =	vld [tilespmem:$0x1E0];
	[tilespmem:$0x780] =	vst v20;
	v20 =	vadd.s32 $0x30D40, v51  }
0x78: {  	v54 =	vld [tilespmem:$0x1F0];
	[tilespmem:$0x790] =	vst v20;
	v20 =	vadd.s32 $0x30D40, v52  }
0x79: {  	[tilespmem:$0x7A0] =	vst v20;
	v20 =	vadd.s32 $0x30D40, v21;
	v21 =	vshrl.u32 v27, $0x1  }
0x7a: {  	[tilespmem:$0x7B0] =	vst v20;
	v20 =	vadd.s32 $0x30D40, v22;
	v22 =	vmul.u32 $0xFFFFFFFD, v21  }
0x7b: {  	[tilespmem:$0x7C0] =	vst v20;
	v20 =	vadd.s32 $0x30D40, v23  }
0x7c: {  	[tilespmem:$0x7D0] =	vst v20;
	v20 =	vadd.s32 $0x30D40, v53;
	v22 =	vadd.s32 v26, v22  }
0x7d: {  	s30 =	simm.s32 $0x600;
	[tilespmem:$0x7E0] =	vst v20;
	v20 =	vadd.s32 $0x30D40, v54;
	v22 =	vshll.u32 v22, $0x9  }
0x7e: {  	s31 =	simm.s32 $0x200;
	s2 =	simm.s32 $0x1;
	s28 =	rddreg [dreg:$0x0];
	[tilespmem:$0x7F0] =	vst v20;
	v20 =	vadd.s32 v21, v22  }
0x7f: {  	[tilespmem:s10], [sflag:$0x1] =	stream.indirect.gather [hbm4b:s28+s30], $0x1, s31, s30, $0xb8;
	[tilespmem:$0x6E00] =	vst v63  }
0x80: {  	_ =	swait.ge [sflag:s2], $0x600  }
0x81: {  	[sflag:s2] =	ssyncset.done $0x0  }
0x82: {  	[sflag:s2] =	ssyncadd.s32 $0xFFFFFA00  }
0x83: {  	v20 =	vld.idx.msk [tilespmem:v20+s10+$0x0], $0xffff;
	_ =	sdelay $0x4  }
0x84: {  	(v2sf) =	vpush v20, $0xF  }
0x85: {  	(v2sf) =	vpush v20, $0xB;
	_ =	sdelay $0x1  }
0x86: {  	(v2sf) =	vpush v20, $0x6;
	_ =	sdelay $0x1  }
0x87: {  	(v2sf) =	vpush v20, $0xE  }
0x88: {  	(v2sf) =	vpush v20, $0xA;
	_ =	sdelay $0x1  }
0x89: {  	(v2sf) =	vpush v20, $0xD;
	_ =	sdelay $0x1  }
0x8a: {  	(v2sf) =	vpush v20, $0x9  }
0x8b: {  	(v2sf) =	vpush v20, $0x5;
	_ =	sdelay $0x2  }
0x8c: {  	(v2sf) =	vpush v20, $0xC  }
0x8d: {  	s3 =	spop (v2sf)  }
0x8e: {  	(v2sf) =	vpush v20, $0x8;
	s7 =	smulhi.u32 $0x4325C53F, s3;
	s8 =	spop (v2sf)  }
0x8f: {  	s0 =	sshra.s32 s3, $0x1F;
	s15 =	smulhi.u32 $0x4325C53F, s8  }
0x90: {  	(v2sf) =	vpush v20, $0x4;
	s1 =	spop (v2sf);
	s0 =	smul.u32 $0x4325C53F, s0  }
0x91: {  	s8 =	sshra.s32 s8, $0x1F;
	s14 =	smulhi.u32 $0x4325C53F, s1  }
0x92: {  	(v2sf) =	vpush v20, $0x3;
	s16 =	spop (v2sf);
	s8 =	smul.u32 $0x4325C53F, s8  }
0x93: {  	s17 =	smulhi.u32 $0x4325C53F, s16;
	s18 =	spop (v2sf)  }
0x94: {  	(v2sf) =	vpush v20, $0x2;
	s16 =	sshra.s32 s16, $0x1F;
	s20 =	smulhi.u32 $0x4325C53F, s18  }
0x95: {  	s21 =	spop (v2sf);
	s3 =	smul.u32 $0x4325C53F, s16  }
0x96: {  	(v2sf) =	vpush v20, $0x1;
	s11 =	sshra.s32 s18, $0x1F;
	s22 =	smulhi.u32 $0x4325C53F, s21  }
0x97: {  	(v2sf) =	vpush v20, $0x0;
	s23 =	spop (v2sf);
	s13 =	sshra.s32 s21, $0x1F;
	s21 =	smul.u32 $0x4325C53F, s11  }
0x98: {  	s24 =	smulhi.u32 $0x4325C53F, s23;
	s25 =	spop (v2sf);
	(v2sf) =	vpush v20, $0x7  }
0x99: {  	s18 =	smul.u32 $0x4325C53F, s13  }
0x9a: {  	s23 =	sshra.s32 s23, $0x1F;
	s26 =	smulhi.u32 $0x4325C53F, s25  }
0x9b: {  	s28 =	spop (v2sf);
	s23 =	smul.u32 $0x4325C53F, s23  }
0x9c: {  	s16 =	sadd.s32 s0, s7;
	s7 =	sshra.s32 s25, $0x1F;
	s29 =	smulhi.u32 $0x4325C53F, s28  }
0x9d: {  	s15 =	sadd.s32 s8, s15;
	s30 =	spop (v2sf);
	s8 =	smul.u32 $0x4325C53F, s7  }
0x9e: {  	s13 =	sshra.s32 s28, $0x1F;
	s31 =	smulhi.u32 $0x4325C53F, s30  }
0x9f: {  	s22 =	sadd.s32 s18, s22;
	s9 =	spop (v2sf);
	s18 =	smul.u32 $0x4325C53F, s13  }
0xa0: {  	s30 =	sshra.s32 s30, $0x1F;
	s12 =	smulhi.u32 $0x4325C53F, s9  }
0xa1: {  	s0 =	sadd.s32 s3, s17;
	s4 =	spop (v2sf);
	s13 =	smul.u32 $0x4325C53F, s30  }
0xa2: {  	s2 =	sadd.s32 s21, s20;
	s9 =	sshra.s32 s9, $0x1F;
	s19 =	smulhi.u32 $0x4325C53F, s4  }
0xa3: {  	s23 =	sadd.s32 s23, s24;
	s5 =	spop (v2sf);
	s9 =	smul.u32 $0x4325C53F, s9  }
0xa4: {  	s3 =	sadd.s32 s18, s29;
	s4 =	sshra.s32 s4, $0x1F;
	s6 =	smulhi.u32 $0x4325C53F, s5  }
0xa5: {  	s4 =	smul.u32 $0x4325C53F, s4;
	s5 =	sshra.s32 s5, $0x1F;
	s11 =	spop (v2sf)  }
0xa6: {  	s18 =	sadd.s32 s8, s26;
	s5 =	smul.u32 $0x4325C53F, s5;
	s7 =	spop (v2sf)  }
0xa7: {  	s24 =	sadd.s32 s13, s31;
	s28 =	smulhi.u32 $0x4325C53F, s7;
	s17 =	spop (v2sf)  }
0xa8: {  	s26 =	sshrl.u32 s3, $0x1F;
	s21 =	smulhi.u32 $0x4325C53F, s17;
	s30 =	sshra.s32 s17, $0x1F  }
0xa9: {  	s3 =	sshra.s32 s3, $0xF;
	s7 =	sshra.s32 s7, $0x1F;
	s8 =	smul.u32 $0x4325C53F, s30  }
0xaa: {  	s20 =	sadd.s32 s9, s12;
	s12 =	sshrl.u32 s23, $0x1F;
	s7 =	smul.u32 $0x4325C53F, s7  }
0xab: {  	s25 =	smulhi.u32 $0x4325C53F, s11;
	s13 =	sshra.s32 s11, $0x1F;
	s17 =	sadd.s32 s8, s21  }
0xac: {  	s7 =	sadd.s32 s7, s28;
	s8 =	smul.u32 $0x4325C53F, s13;
	s21 =	sshra.s32 s17, $0x1F  }
0xad: {  	s5 =	sadd.s32 s5, s6;
	s6 =	sshra.s32 s24, $0xF;
	s28 =	sshra.s32 s7, $0xF;
	v21 =	vmov s21  }
0xae: {  	v57 =	vmov s6;
	s6 =	sshrl.u32 s16, $0x1F;
	s31 =	sshra.s32 s7, $0x1F;
	s8 =	sadd.s32 s8, s25;
	v21 =	vsel vm0, s28, v21  }
0xaf: {  	v22 =	vmov s26;
	v55 =	vmov s3;
	s11 =	sshrl.u32 s22, $0x1F;
	s30 =	sshrl.u32 s24, $0x1F;
	s9 =	sshra.s32 s8, $0xF;
	v21 =	vsel vm1, s31, v21  }
0xb0: {  	v22 =	vsel vm2, s11, v22;
	s24 =	sshrl.u32 s0, $0x1F;
	s7 =	sshrl.u32 s7, $0x1F;
	v23 =	vmov s30;
	s13 =	sshra.s32 s8, $0x1F;
	v21 =	vsel vm2, s9, v21  }
0xb1: {  	v22 =	vsel vm4, s24, v22;
	v56 =	vmov s7;
	s21 =	sshra.s32 s22, $0xF;
	s22 =	sshra.s32 s23, $0xF;
	s23 =	sshra.s32 s5, $0xF;
	v21 =	vsel vm3, s13, v21  }
0xb2: {  	s26 =	sshrl.u32 s2, $0x1F;
	s4 =	sadd.s32 s4, s19;
	v23 =	vsel vm2, s12, v23;
	v22 =	vsel vm6, s6, v22;
	s25 =	sshra.s32 s5, $0x1F;
	v21 =	vsel vm4, s23, v21  }
0xb3: {  	s1 =	sshra.s32 s1, $0x1F;
	s7 =	sshrl.u32 s15, $0x1F;
	v23 =	vsel vm4, s26, v23;
	v25 =	vnsel vm0, $0x0, v56;
	s28 =	sshra.s32 s4, $0xF;
	v21 =	vsel vm5, s25, v21  }
0xb4: {  	s1 =	smul.u32 $0x4325C53F, s1;
	s2 =	sshra.s32 s2, $0xF;
	v23 =	vsel vm6, s7, v23;
	v24 =	vsel vm2, s21, v55;
	s31 =	sshra.s32 s4, $0x1F;
	v21 =	vsel vm6, s28, v21  }
0xb5: {  	s0 =	sshra.s32 s0, $0xF;
	v26 =	vsel vm2, s22, v57;
	s30 =	sshrl.u32 s8, $0x1F;
	s8 =	sshra.s32 s20, $0xF;
	v22 =	vcombine.low v23, v22;
	v21 =	vsel vm7, s31, v21  }
0xb6: {  	s19 =	sshra.s32 s18, $0xF;
	s12 =	sshra.s32 s20, $0x1F;
	v24 =	vsel vm4, s0, v24;
	v25 =	vsel vm2, s30, v25;
	s9 =	sshrl.u32 s5, $0x1F;
	v21 =	vsel vm8, s8, v21  }
0xb7: {  	s11 =	sshra.s32 s16, $0xF;
	s16 =	sshra.s32 s15, $0xF;
	v26 =	vsel vm4, s2, v26;
	v25 =	vsel vm4, s9, v25;
	s13 =	sshrl.u32 s4, $0x1F;
	v21 =	vsel vm9, s12, v21  }
0xb8: {  	s21 =	sadd.s32 s1, s14;
	s22 =	sshrl.u32 s20, $0x1F;
	v24 =	vsel vm6, s11, v24;
	v25 =	vsel vm6, s13, v25;
	s23 =	sshra.s32 s18, $0x1F;
	v21 =	vsel vm10, s19, v21  }
0xb9: {  	s24 =	sshrl.u32 s18, $0x1F;
	v26 =	vsel vm6, s16, v26;
	v25 =	vsel vm8, s22, v25;
	s25 =	sshra.s32 s21, $0xF;
	v21 =	vsel vm11, s23, v21  }
0xba: {  	s26 =	sshrl.u32 s21, $0x1F;
	s0 =	sshra.s32 s21, $0x1F;
	v24 =	vcombine.low v26, v24;
	v23 =	vsel vm10, s24, v25;
	v21 =	vsel vm12, s25, v21  }
0xbb: {  	s30 =	sshra.s32 s17, $0xF;
	v22 =	vperm.xlane v22, v3;
	s28 =	sshrl.u32 s17, $0x1F;
	v23 =	vsel vm12, s26, v23;
	v21 =	vsel vm14, s0, v21  }
0xbc: {  	v24 =	vperm.xlane v24, v3;
	v23 =	vsel vm13, s28, v23;
	v21 =	vsel vm13, s30, v21  }
0xbd: {  	v23 =	vperm.xlane v23, v4;
	v21 =	vperm.xlane v21, v4;
	_ =	sdelay $0x1  }
0xbe: {  	v22 =	vsel vm15, v23, v22;
	v21 =	vsel vm15, v21, v24  }
0xbf: {  	v21 =	vadd.s32 v22, v21  }
0xc0: {  	v22 =	vmul.u32 $0xFFFE1800, v21;
	_ =	sdelay $0x1  }
0xc1: {  	v22 =	vadd.s32 v20, v22  }
0xc2: {  	v21 =	vmul.u32 $0x1E8000, v21;
	v22 =	vshll.u32 v22, $0x3  }
0xc3: {  	v22 =	vand.u32 $0xFFFFFC00, v22  }
0xc4: {  	v20 =	vand.u32 $0x7F, v20;
	v21 =	vadd.s32 v21, v22  }
0xc5: {  	v20 =	vor.u32 v20, v21  }
0xc6: {  	v21 =	vperm.xlane v20, v17  }
0xc7: {  	v22 =	vperm.xlane v20, v18  }
0xc8: {  	s14 =	simm.s32 $0xE80;
	v23 =	vperm.xlane v20, v19;
	v21 =	vadd.s32 v6, v21  }
0xc9: {  	v58 =	vperm.xlane v20, v16;
	v22 =	vadd.s32 v6, v22;
	[tilespmem:s14+$0x50] =	vst v21  }
0xca: {  	s31 =	simm.s32 $0x10;
	v60 =	vperm.xlane v20, v1;
	v23 =	vadd.s32 v6, v23;
	[tilespmem:s14+$0x60] =	vst v22  }
0xcb: {  	v59 =	vor.u32 s31, v0;
	v63 =	vperm.xlane v20, v12;
	v24 =	vadd.s32 v6, v58;
	[tilespmem:s14+$0x70] =	vst v23  }
0xcc: {  	v61 =	vmulhi.u32 $0xAAAAAAAB, v59;
	v21 =	vperm.xlane v20, v5;
	[tilespmem:s14+$0x40] =	vst v24;
	v24 =	vadd.s32 v6, v60  }
0xcd: {  	v22 =	vperm.xlane v20, v7;
	[tilespmem:s14+$0xFFFFFFB0] =	vst v24;
	v24 =	vadd.s32 v6, v63  }
0xce: {  	v26 =	vshrl.u32 v61, $0x1;
	v23 =	vperm.xlane v20, v8;
	v21 =	vadd.s32 v6, v21;
	[tilespmem:s14+$0xFFFFFFF0] =	vst v24  }
0xcf: {  	v62 =	vmul.u32 $0xFFFFFFFD, v26;
	v22 =	vadd.s32 v6, v22;
	[tilespmem:s14+$0xFFFFFF80] =	vst v21;
	v21 =	vperm.xlane v20, v9  }
0xd0: {  	v23 =	vadd.s32 v6, v23;
	[tilespmem:s14+$0xFFFFFF90] =	vst v22;
	v22 =	vperm.xlane v20, v10  }
0xd1: {  	v25 =	vadd.s32 v59, v62;
	[tilespmem:s14+$0xFFFFFFA0] =	vst v23;
	v23 =	vperm.xlane v20, v11;
	v21 =	vadd.s32 v6, v21  }
0xd2: {  	v25 =	vshll.u32 v25, $0x9;
	v22 =	vadd.s32 v6, v22;
	[tilespmem:s14+$0xFFFFFFC0] =	vst v21;
	v21 =	vperm.xlane v20, v13  }
0xd3: {  	v25 =	vadd.s32 v26, v25;
	v23 =	vadd.s32 v6, v23;
	[tilespmem:s14+$0xFFFFFFD0] =	vst v22;
	v22 =	vperm.xlane v20, v2  }
0xd4: {  	[tilespmem:s14+$0xFFFFFFE0] =	vst v23;
	v23 =	vperm.xlane v20, v14;
	v20 =	vperm.xlane v20, v15;
	v21 =	vadd.s32 v6, v21  }
0xd5: {  	v22 =	vadd.s32 v6, v22;
	[tilespmem:s14+$0x0] =	vst v21  }
0xd6: {  	v20 =	vadd.s32 v6, v20;
	[tilespmem:s14+$0x10] =	vst v22  }
0xd7: {  	v21 =	vadd.s32 v6, v23;
	[tilespmem:s14+$0x30] =	vst v20  }
0xd8: {  	[tilespmem:s14+$0x20] =	vst v21  }
0xd9: {  	v20 =	vld.idx.msk [tilespmem:v25+s10+$0x0], $0xffff;
	_ =	sdelay $0x4  }
0xda: {  	(v2sf) =	vpush v20, $0xF  }
0xdb: {  	(v2sf) =	vpush v20, $0xB  }
0xdc: {  	(v2sf) =	vpush v20, $0x6  }
0xdd: {  	(v2sf) =	vpush v20, $0xE  }
0xde: {  	(v2sf) =	vpush v20, $0xA  }
0xdf: {  	(v2sf) =	vpush v20, $0xD  }
0xe0: {  	(v2sf) =	vpush v20, $0x9  }
0xe1: {  	(v2sf) =	vpush v20, $0x5  }
0xe2: {  	(v2sf) =	vpush v20, $0xC  }
0xe3: {  	(v2sf) =	vpush v20, $0x8  }
0xe4: {  	(v2sf) =	vpush v20, $0x4  }
0xe5: {  	(v2sf) =	vpush v20, $0x3  }
0xe6: {  	s29 =	simm.s32 $0x20;
	(v2sf) =	vpush v20, $0x2  }
.LBB2_2:
0xe7: {  	_ =	sdelay $0x1  }
0xe8: {  	s3 =	spop (v2sf)  }
0xe9: {  	s0 =	smulhi.u32 $0x4325C53F, s3;
	s4 =	spop (v2sf)  }
0xea: {  	s3 =	sshra.s32 s3, $0x1F;
	s28 =	smulhi.u32 $0x4325C53F, s4  }
0xeb: {  	s5 =	spop (v2sf);
	s3 =	smul.u32 $0x4325C53F, s3  }
0xec: {  	s4 =	sshra.s32 s4, $0x1F;
	s30 =	smulhi.u32 $0x4325C53F, s5  }
0xed: {  	s6 =	spop (v2sf);
	s4 =	smul.u32 $0x4325C53F, s4  }
0xee: {  	s5 =	sshra.s32 s5, $0x1F;
	s31 =	smulhi.u32 $0x4325C53F, s6  }
0xef: {  	s7 =	spop (v2sf);
	s5 =	smul.u32 $0x4325C53F, s5  }
0xf0: {  	s6 =	sshra.s32 s6, $0x1F;
	s23 =	smulhi.u32 $0x4325C53F, s7  }
0xf1: {  	s8 =	spop (v2sf);
	s6 =	smul.u32 $0x4325C53F, s6  }
0xf2: {  	(v2sf) =	vpush v20, $0x1;
	s7 =	sshra.s32 s7, $0x1F;
	s21 =	smulhi.u32 $0x4325C53F, s8  }
0xf3: {  	s9 =	spop (v2sf);
	s7 =	smul.u32 $0x4325C53F, s7  }
0xf4: {  	(v2sf) =	vpush v20, $0x0;
	[dreg:$0x6] =	wrdreg s0;
	s8 =	sshra.s32 s8, $0x1F;
	s1 =	smulhi.u32 $0x4325C53F, s9  }
0xf5: {  	s11 =	spop (v2sf);
	s24 =	smul.u32 $0x4325C53F, s8  }
0xf6: {  	(v2sf) =	vpush v20, $0x7;
	[dreg:$0x7] =	wrdreg s28;
	s9 =	sshra.s32 s9, $0x1F;
	s20 =	smulhi.u32 $0x4325C53F, s11  }
0xf7: {  	s12 =	spop (v2sf);
	s9 =	smul.u32 $0x4325C53F, s9  }
0xf8: {  	[dreg:$0x4] =	wrdreg s30;
	s26 =	sshra.s32 s11, $0x1F;
	s30 =	smulhi.u32 $0x4325C53F, s12  }
0xf9: {  	s22 =	spop (v2sf);
	s28 =	sshra.s32 s12, $0x1F;
	s12 =	smul.u32 $0x4325C53F, s26  }
0xfa: {  	[dreg:$0x8] =	wrdreg s31;
	s19 =	smulhi.u32 $0x4325C53F, s22  }
0xfb: {  	s25 =	spop (v2sf);
	s11 =	smul.u32 $0x4325C53F, s28  }
0xfc: {  	[dreg:$0x9] =	wrdreg s1;
	s26 =	sshra.s32 s22, $0x1F;
	s31 =	smulhi.u32 $0x4325C53F, s25  }
0xfd: {  	s23 =	sadd.s32 s7, s23;
	s13 =	spop (v2sf);
	s26 =	smul.u32 $0x4325C53F, s26  }
0xfe: {  	s28 =	sshra.s32 s25, $0x1F;
	s25 =	rddreg [dreg:$0x6];
	s2 =	smulhi.u32 $0x4325C53F, s13  }
0xff: {  	s20 =	sadd.s32 s12, s20;
	s10 =	spop (v2sf);
	s28 =	smul.u32 $0x4325C53F, s28  }
0x100: {  	s13 =	sshra.s32 s13, $0x1F;
	s25 =	sadd.s32 s3, s25;
	s1 =	smulhi.u32 $0x4325C53F, s10  }
0x101: {  	s7 =	sadd.s32 s11, s30;
	s17 =	spop (v2sf);
	s8 =	smul.u32 $0x4325C53F, s13  }
0x102: {  	s10 =	sshra.s32 s10, $0x1F;
	[dreg:$0x5] =	wrdreg s2;
	s2 =	smulhi.u32 $0x4325C53F, s17  }
0x103: {  	s15 =	spop (v2sf);
	s22 =	sshra.s32 s17, $0x1F;
	s10 =	smul.u32 $0x4325C53F, s10  }
0x104: {  	s17 =	sadd.s32 s26, s19;
	s26 =	sshrl.u32 s7, $0x1F;
	s0 =	smulhi.u32 $0x4325C53F, s15  }
0x105: {  	s7 =	sshra.s32 s7, $0xF;
	s16 =	spop (v2sf);
	s13 =	smul.u32 $0x4325C53F, s22  }
0x106: {  	s15 =	sshra.s32 s15, $0x1F;
	s22 =	rddreg [dreg:$0x7];
	s18 =	smulhi.u32 $0x4325C53F, s16  }
0x107: {  	s30 =	sshrl.u32 s17, $0x1F;
	s15 =	smul.u32 $0x4325C53F, s15;
	s16 =	sshra.s32 s16, $0x1F  }
0x108: {  	v24 =	vmov s7;
	s7 =	sshra.s32 s17, $0xF;
	s22 =	sadd.s32 s4, s22;
	s3 =	smul.u32 $0x4325C53F, s16  }
0x109: {  	s4 =	sadd.s32 s24, s21;
	s24 =	rddreg [dreg:$0x8];
	s21 =	sadd.s32 s28, s31  }
0x10a: {  	s6 =	sadd.s32 s6, s24;
	s16 =	rddreg [dreg:$0x9];
	s19 =	sadd.s32 s3, s18  }
0x10b: {  	s2 =	sadd.s32 s13, s2;
	s18 =	sadd.s32 s15, s0;
	s24 =	sshra.s32 s19, $0x1F  }
0x10c: {  	s11 =	sshrl.u32 s4, $0x1F;
	s9 =	sadd.s32 s9, s16;
	s28 =	sshra.s32 s18, $0xF;
	v21 =	vmov s24  }
0x10d: {  	v23 =	vmov s30;
	s13 =	sshra.s32 s2, $0x1F;
	s30 =	sshra.s32 s6, $0xF;
	s31 =	sshra.s32 s18, $0x1F;
	v21 =	vsel vm0, s28, v21  }
0x10e: {  	v22 =	vmov s26;
	v26 =	vmov s7;
	s0 =	sadd.s32 s10, s1;
	s10 =	sshra.s32 s2, $0xF;
	s12 =	sshrl.u32 s9, $0x1F;
	v21 =	vsel vm1, s31, v21  }
0x10f: {  	v22 =	vsel vm2, s11, v22;
	s15 =	sshra.s32 s4, $0xF;
	s16 =	sshra.s32 s9, $0xF;
	s3 =	sshrl.u32 s18, $0x1F;
	v23 =	vsel vm2, s12, v23;
	v21 =	vsel vm2, s10, v21  }
0x110: {  	s17 =	sshra.s32 s0, $0xF;
	s18 =	sshrl.u32 s6, $0x1F;
	v24 =	vsel vm2, s15, v24;
	v26 =	vsel vm2, s16, v26;
	s24 =	rddreg [dreg:$0x5];
	v21 =	vsel vm3, s13, v21  }
0x111: {  	s26 =	sshra.s32 s0, $0x1F;
	s6 =	sshra.s32 s23, $0xF;
	v25 =	vmov s3;
	v22 =	vsel vm4, s18, v22;
	s8 =	sadd.s32 s8, s24;
	v21 =	vsel vm4, s17, v21  }
0x112: {  	s11 =	sshra.s32 s21, $0xF;
	s9 =	sshrl.u32 s25, $0x1F;
	v24 =	vsel vm4, s30, v24;
	v26 =	vsel vm4, s6, v26;
	s31 =	sshra.s32 s8, $0xF;
	v21 =	vsel vm5, s26, v21  }
0x113: {  	s12 =	sshra.s32 s25, $0xF;
	s16 =	sshra.s32 s22, $0xF;
	v25 =	vnsel vm0, $0x0, v25;
	v22 =	vsel vm6, s9, v22;
	s7 =	sshra.s32 s8, $0x1F;
	v21 =	vsel vm6, s31, v21  }
0x114: {  	s2 =	sshrl.u32 s2, $0x1F;
	s0 =	sshrl.u32 s0, $0x1F;
	s28 =	sshrl.u32 s23, $0x1F;
	v24 =	vsel vm6, s12, v24;
	v26 =	vsel vm6, s16, v26;
	v21 =	vsel vm7, s7, v21  }
0x115: {  	s18 =	sshrl.u32 s21, $0x1F;
	v23 =	vsel vm4, s28, v23;
	v25 =	vsel vm2, s2, v25;
	s15 =	sshrl.u32 s8, $0x1F;
	s13 =	sshra.s32 s21, $0x1F;
	v21 =	vsel vm8, s11, v21  }
0x116: {  	v24 =	vcombine.low v26, v24;
	s10 =	sshrl.u32 s22, $0x1F;
	v25 =	vsel vm4, s0, v25;
	s21 =	rddreg [dreg:$0x4];
	s17 =	sshra.s32 s20, $0xF;
	v21 =	vsel vm9, s13, v21  }
0x117: {  	s22 =	sshra.s32 s20, $0x1F;
	v23 =	vsel vm6, s10, v23;
	v25 =	vsel vm6, s15, v25;
	s3 =	sadd.s32 s5, s21;
	v21 =	vsel vm10, s17, v21  }
0x118: {  	s23 =	sshrl.u32 s20, $0x1F;
	v22 =	vcombine.low v23, v22;
	v23 =	vsel vm8, s18, v25;
	s24 =	sshra.s32 s3, $0xF;
	v21 =	vsel vm11, s22, v21  }
0x119: {  	v23 =	vsel vm10, s23, v23;
	s25 =	sshrl.u32 s3, $0x1F;
	s26 =	sshra.s32 s3, $0x1F;
	v21 =	vsel vm12, s24, v21  }
0x11a: {  	s30 =	sshra.s32 s19, $0xF;
	s28 =	sshrl.u32 s19, $0x1F;
	v24 =	vperm.xlane v24, v3;
	v23 =	vsel vm12, s25, v23;
	v21 =	vsel vm14, s26, v21  }
0x11b: {  	v22 =	vperm.xlane v22, v3;
	v23 =	vsel vm13, s28, v23;
	v21 =	vsel vm13, s30, v21  }
0x11c: {  	v23 =	vperm.xlane v23, v4;
	v21 =	vperm.xlane v21, v4;
	_ =	sdelay $0x1  }
0x11d: {  	v22 =	vsel vm15, v23, v22;
	v21 =	vsel vm15, v21, v24  }
0x11e: {  	v21 =	vadd.s32 v22, v21  }
0x11f: {  	v22 =	vmul.u32 $0xFFFE1800, v21;
	_ =	sdelay $0x1  }
0x120: {  	v22 =	vadd.s32 v20, v22  }
0x121: {  	v21 =	vmul.u32 $0x1E8000, v21;
	v22 =	vshll.u32 v22, $0x3  }
0x122: {  	v22 =	vand.u32 $0xFFFFFC00, v22  }
0x123: {  	v20 =	vand.u32 $0x7F, v20;
	v21 =	vadd.s32 v21, v22  }
0x124: {  	v20 =	vor.u32 v20, v21  }
0x125: {  	v21 =	vperm.xlane v20, v17  }
0x126: {  	v22 =	vperm.xlane v20, v18  }
0x127: {  	s14 =	sadd.s32 $0x100, s14;
	v23 =	vperm.xlane v20, v16;
	v51 =	vperm.xlane v20, v19;
	v21 =	vadd.s32 v6, v21  }
0x128: {  	v52 =	vperm.xlane v20, v5;
	v53 =	vperm.xlane v20, v7;
	v22 =	vadd.s32 v6, v22;
	[tilespmem:s14+$0x50] =	vst v21  }
0x129: {  	v55 =	vperm.xlane v20, v8;
	v27 =	vperm.xlane v20, v1;
	v23 =	vadd.s32 v6, v23;
	[tilespmem:s14+$0x60] =	vst v22  }
0x12a: {  	v56 =	vperm.xlane v20, v9;
	v28 =	vperm.xlane v20, v10;
	v21 =	vadd.s32 v6, v51;
	[tilespmem:s14+$0x40] =	vst v23  }
0x12b: {  	v29 =	vperm.xlane v20, v11;
	v54 =	vadd.s32 v6, v52;
	[tilespmem:s14+$0x70] =	vst v21;
	v21 =	vor.u32 s29, v0  }
0x12c: {  	v30 =	vperm.xlane v20, v12;
	v57 =	vadd.s32 v6, v55;
	[tilespmem:s14+$0xFFFFFF80] =	vst v54;
	v23 =	vmulhi.u32 $0xAAAAAAAB, v21  }
0x12d: {  	v58 =	vperm.xlane v20, v13;
	v59 =	vperm.xlane v20, v2;
	v60 =	vadd.s32 v6, v56;
	[tilespmem:s14+$0xFFFFFFA0] =	vst v57  }
0x12e: {  	v31 =	vperm.xlane v20, v14;
	v62 =	vadd.s32 v6, v29;
	[tilespmem:s14+$0xFFFFFFC0] =	vst v60;
	v23 =	vshrl.u32 v23, $0x1  }
0x12f: {  	v20 =	vperm.xlane v20, v15;
	v63 =	vadd.s32 v6, v30;
	[tilespmem:s14+$0xFFFFFFE0] =	vst v62;
	v61 =	vmul.u32 $0xFFFFFFFD, v23  }
0x130: {  	v25 =	vadd.s32 v6, v58;
	[tilespmem:s14+$0xFFFFFFF0] =	vst v63  }
0x131: {  	v20 =	vadd.s32 v6, v20;
	[tilespmem:s14+$0x0] =	vst v25;
	v21 =	vadd.s32 v21, v61  }
0x132: {  	v22 =	vadd.s32 v6, v53;
	[tilespmem:s14+$0x30] =	vst v20;
	v21 =	vshll.u32 v21, $0x9  }
0x133: {  	[tilespmem:s14+$0xFFFFFF90] =	vst v22;
	v22 =	vadd.s32 v6, v27;
	v21 =	vadd.s32 v23, v21  }
0x134: {  	v27 =	vadd.s32 v6, v59;
	[tilespmem:s14+$0xFFFFFFB0] =	vst v22  }
0x135: {  	v22 =	vadd.s32 v6, v28;
	[tilespmem:s14+$0x10] =	vst v27  }
0x136: {  	[tilespmem:s14+$0xFFFFFFD0] =	vst v22;
	v22 =	vadd.s32 v6, v31  }
0x137: {  	s31 =	simm.s32 $0x800;
	[tilespmem:s14+$0x20] =	vst v22  }
0x138: {  	v20 =	vld.idx.msk [tilespmem:v21+s31+$0x0], $0xffff;
	_ =	sdelay $0x4  }
0x139: {  	(v2sf) =	vpush v20, $0xF  }
0x13a: {  	(v2sf) =	vpush v20, $0xB  }
0x13b: {  	(v2sf) =	vpush v20, $0x6  }
0x13c: {  	(v2sf) =	vpush v20, $0xE  }
0x13d: {  	(v2sf) =	vpush v20, $0xA  }
0x13e: {  	(v2sf) =	vpush v20, $0xD  }
0x13f: {  	(v2sf) =	vpush v20, $0x9  }
0x140: {  	p0 =	sne.s32 s29, $0x5F0;
	(v2sf) =	vpush v20, $0x5  }
.Ltmp0:
0x141: {  	(v2sf) =	vpush v20, $0xC;
	(pc) =	sbr.rel @p0 .LBB2_2-.Ltmp0, $4  }
0x142: {  	(v2sf) =	vpush v20, $0x8  }
0x143: {  	(v2sf) =	vpush v20, $0x4  }
0x144: {  	(v2sf) =	vpush v20, $0x3  }
0x145: {  	s29 =	sadd.s32 $0x10, s29;
	(v2sf) =	vpush v20, $0x2  }
0x146: {  	_ =	sdelay $0x1  }
0x147: {  	s0 =	spop (v2sf)  }
0x148: {  	s1 =	smulhi.u32 $0x4325C53F, s0;
	s2 =	spop (v2sf)  }
0x149: {  	s0 =	sshra.s32 s0, $0x1F;
	s3 =	smulhi.u32 $0x4325C53F, s2  }
0x14a: {  	s4 =	spop (v2sf);
	s0 =	smul.u32 $0x4325C53F, s0  }
0x14b: {  	s2 =	sshra.s32 s2, $0x1F;
	s15 =	smulhi.u32 $0x4325C53F, s4  }
0x14c: {  	s5 =	spop (v2sf);
	s2 =	smul.u32 $0x4325C53F, s2  }
0x14d: {  	s4 =	sshra.s32 s4, $0x1F;
	s6 =	smulhi.u32 $0x4325C53F, s5  }
0x14e: {  	s7 =	spop (v2sf);
	s16 =	smul.u32 $0x4325C53F, s4  }
0x14f: {  	s5 =	sshra.s32 s5, $0x1F;
	s8 =	smulhi.u32 $0x4325C53F, s7;
	s9 =	spop (v2sf)  }
0x150: {  	s4 =	smul.u32 $0x4325C53F, s5;
	s11 =	spop (v2sf)  }
0x151: {  	(v2sf) =	vpush v20, $0x1;
	s29 =	sshra.s32 s7, $0x1F;
	s10 =	smulhi.u32 $0x4325C53F, s9;
	s13 =	spop (v2sf)  }
0x152: {  	s5 =	smul.u32 $0x4325C53F, s29;
	(v2sf) =	vpush v20, $0x0;
	s20 =	spop (v2sf)  }
0x153: {  	s30 =	sshra.s32 s9, $0x1F;
	s12 =	smulhi.u32 $0x4325C53F, s11;
	s23 =	spop (v2sf);
	(v2sf) =	vpush v20, $0x7  }
0x154: {  	s7 =	smul.u32 $0x4325C53F, s30  }
0x155: {  	s31 =	sshra.s32 s11, $0x1F;
	s19 =	smulhi.u32 $0x4325C53F, s13  }
0x156: {  	s9 =	smul.u32 $0x4325C53F, s31  }
0x157: {  	s13 =	sshra.s32 s13, $0x1F;
	s22 =	smulhi.u32 $0x4325C53F, s20  }
0x158: {  	s18 =	sadd.s32 s0, s1;
	s1 =	smul.u32 $0x4325C53F, s13  }
0x159: {  	s17 =	sadd.s32 s2, s3;
	s2 =	sshra.s32 s20, $0x1F;
	s24 =	smulhi.u32 $0x4325C53F, s23  }
0x15a: {  	s0 =	sadd.s32 s4, s6;
	s25 =	spop (v2sf);
	s20 =	smul.u32 $0x4325C53F, s2  }
0x15b: {  	s7 =	sadd.s32 s7, s10;
	s23 =	sshra.s32 s23, $0x1F;
	s26 =	smulhi.u32 $0x4325C53F, s25  }
0x15c: {  	s2 =	sadd.s32 s5, s8;
	s28 =	spop (v2sf);
	s4 =	smul.u32 $0x4325C53F, s23  }
0x15d: {  	s9 =	sadd.s32 s9, s12;
	s21 =	smulhi.u32 $0x4325C53F, s28;
	s11 =	spop (v2sf)  }
0x15e: {  	s8 =	sadd.s32 s20, s22;
	s22 =	sshra.s32 s25, $0x1F;
	s29 =	smulhi.u32 $0x4325C53F, s11  }
0x15f: {  	s25 =	sshra.s32 s28, $0x1F;
	s20 =	sadd.s32 s1, s19;
	s10 =	smul.u32 $0x4325C53F, s22  }
0x160: {  	s12 =	smul.u32 $0x4325C53F, s25;
	s11 =	sshra.s32 s11, $0x1F;
	s13 =	spop (v2sf)  }
0x161: {  	s1 =	sadd.s32 s10, s26;
	s10 =	smul.u32 $0x4325C53F, s11;
	s30 =	spop (v2sf)  }
0x162: {  	s6 =	smulhi.u32 $0x4325C53F, s30;
	s31 =	spop (v2sf)  }
0x163: {  	s23 =	smulhi.u32 $0x4325C53F, s31;
	s28 =	sshra.s32 s31, $0x1F  }
0x164: {  	s4 =	sadd.s32 s4, s24;
	s30 =	sshra.s32 s30, $0x1F;
	s31 =	smul.u32 $0x4325C53F, s28  }
0x165: {  	s25 =	sshrl.u32 s8, $0x1F;
	s8 =	sshra.s32 s8, $0xF;
	s5 =	smul.u32 $0x4325C53F, s30  }
0x166: {  	s3 =	smulhi.u32 $0x4325C53F, s13;
	s19 =	sadd.s32 s31, s23;
	s23 =	sshra.s32 s13, $0x1F  }
0x167: {  	s5 =	sadd.s32 s5, s6;
	s11 =	smul.u32 $0x4325C53F, s23;
	s24 =	sshra.s32 s19, $0x1F  }
0x168: {  	v22 =	vmov s25;
	s25 =	sshra.s32 s9, $0xF;
	s10 =	sadd.s32 s10, s29;
	s26 =	sshra.s32 s5, $0xF;
	v21 =	vmov s24  }
0x169: {  	s28 =	sshrl.u32 s4, $0x1F;
	s29 =	sshra.s32 s5, $0x1F;
	s3 =	sadd.s32 s11, s3;
	v21 =	vsel vm0, s26, v21  }
0x16a: {  	v24 =	vmov s8;
	s4 =	sshra.s32 s4, $0xF;
	s5 =	sshrl.u32 s5, $0x1F;
	v23 =	vmov s28;
	v21 =	vsel vm1, s29, v21;
	s30 =	sshra.s32 s3, $0xF  }
0x16b: {  	s22 =	sadd.s32 s12, s21;
	v26 =	vmov s4;
	s31 =	sshrl.u32 s7, $0x1F;
	v25 =	vmov s5;
	s11 =	sshra.s32 s3, $0x1F;
	v21 =	vsel vm2, s30, v21  }
0x16c: {  	s12 =	sadd.s32 s16, s15;
	s13 =	sshrl.u32 s9, $0x1F;
	v26 =	vsel vm2, s25, v26;
	s23 =	sshra.s32 s10, $0xF;
	v22 =	vsel vm2, s31, v22;
	v21 =	vsel vm3, s11, v21  }
0x16d: {  	s28 =	sshrl.u32 s0, $0x1F;
	v23 =	vsel vm2, s13, v23;
	v25 =	vnsel vm0, $0x0, v25;
	s24 =	sshra.s32 s7, $0xF;
	s26 =	sshra.s32 s10, $0x1F;
	v21 =	vsel vm4, s23, v21  }
0x16e: {  	s6 =	sshrl.u32 s18, $0x1F;
	s0 =	sshra.s32 s0, $0xF;
	v22 =	vsel vm4, s28, v22;
	v24 =	vsel vm2, s24, v24;
	s30 =	sshra.s32 s22, $0xF;
	v21 =	vsel vm5, s26, v21  }
0x16f: {  	s31 =	sshra.s32 s22, $0x1F;
	v22 =	vsel vm6, s6, v22;
	s29 =	sshrl.u32 s2, $0x1F;
	s3 =	sshrl.u32 s3, $0x1F;
	v24 =	vsel vm4, s0, v24;
	v21 =	vsel vm6, s30, v21  }
0x170: {  	s15 =	sshra.s32 s18, $0xF;
	s7 =	sshra.s32 s1, $0xF;
	s2 =	sshra.s32 s2, $0xF;
	v23 =	vsel vm4, s29, v23;
	v25 =	vsel vm2, s3, v25;
	v21 =	vsel vm7, s31, v21  }
0x171: {  	s8 =	sshrl.u32 s17, $0x1F;
	s9 =	sshrl.u32 s10, $0x1F;
	s10 =	sshra.s32 s1, $0x1F;
	v26 =	vsel vm4, s2, v26;
	v24 =	vsel vm6, s15, v24;
	v21 =	vsel vm8, s7, v21  }
0x172: {  	s18 =	sshra.s32 s17, $0xF;
	s13 =	sshra.s32 s20, $0xF;
	v25 =	vsel vm4, s9, v25;
	s11 =	sshrl.u32 s22, $0x1F;
	v23 =	vsel vm6, s8, v23;
	v21 =	vsel vm9, s10, v21  }
0x173: {  	s16 =	sshra.s32 s20, $0x1F;
	s1 =	sshrl.u32 s1, $0x1F;
	v26 =	vsel vm6, s18, v26;
	v25 =	vsel vm6, s11, v25;
	v21 =	vsel vm10, s13, v21  }
0x174: {  	s21 =	sshra.s32 s12, $0xF;
	s20 =	sshrl.u32 s20, $0x1F;
	v22 =	vcombine.low v23, v22;
	v25 =	vsel vm8, s1, v25;
	v21 =	vsel vm11, s16, v21  }
0x175: {  	s22 =	sshrl.u32 s12, $0x1F;
	v47 =	vcombine.low v26, v24;
	s23 =	sshra.s32 s12, $0x1F;
	v25 =	vsel vm10, s20, v25;
	v21 =	vsel vm12, s21, v21  }
0x176: {  	s25 =	sshra.s32 s19, $0xF;
	s24 =	sshrl.u32 s19, $0x1F;
	v22 =	vperm.xlane v22, v3;
	v48 =	vsel vm12, s22, v25;
	v21 =	vsel vm14, s23, v21  }
0x177: {  	v23 =	vperm.xlane v47, v3;
	v24 =	vsel vm13, s24, v48;
	v21 =	vsel vm13, s25, v21  }
0x178: {  	v24 =	vperm.xlane v24, v4;
	v21 =	vperm.xlane v21, v4;
	_ =	sdelay $0x1  }
0x179: {  	v22 =	vsel vm15, v24, v22;
	v21 =	vsel vm15, v21, v23  }
0x17a: {  	v21 =	vadd.s32 v22, v21  }
0x17b: {  	v22 =	vmul.u32 $0xFFFE1800, v21;
	_ =	sdelay $0x1  }
0x17c: {  	v22 =	vadd.s32 v20, v22  }
0x17d: {  	v21 =	vmul.u32 $0x1E8000, v21;
	v22 =	vshll.u32 v22, $0x3  }
0x17e: {  	v22 =	vand.u32 $0xFFFFFC00, v22  }
0x17f: {  	v20 =	vand.u32 $0x7F, v20;
	v21 =	vadd.s32 v21, v22  }
0x180: {  	v20 =	vor.u32 v20, v21  }
0x181: {  	v21 =	vperm.xlane v20, v17;
	v49 =	vperm.xlane v20, v18  }
0x182: {  	v50 =	vperm.xlane v20, v19;
	v51 =	vperm.xlane v20, v16  }
0x183: {  	v52 =	vperm.xlane v20, v5;
	v53 =	vperm.xlane v20, v7  }
0x184: {  	v54 =	vperm.xlane v20, v8;
	v55 =	vperm.xlane v20, v1  }
0x185: {  	s26 =	sadd.s32 $0x100, s14;
	v56 =	vperm.xlane v20, v9;
	v57 =	vperm.xlane v20, v10;
	v21 =	vadd.s32 v6, v21  }
0x186: {  	v58 =	vperm.xlane v20, v11;
	v59 =	vperm.xlane v20, v12;
	v22 =	vadd.s32 v6, v49;
	[tilespmem:s26+$0x50] =	vst v21  }
0x187: {  	v60 =	vperm.xlane v20, v13;
	v62 =	vperm.xlane v20, v14;
	v23 =	vadd.s32 v6, v50;
	[tilespmem:s26+$0x60] =	vst v22  }
0x188: {  	v61 =	vperm.xlane v20, v2;
	v20 =	vperm.xlane v20, v15;
	v24 =	vadd.s32 v6, v51;
	[tilespmem:s26+$0x70] =	vst v23  }
0x189: {  	v63 =	vadd.s32 v6, v62;
	[tilespmem:s26+$0x40] =	vst v24  }
0x18a: {  	v20 =	vadd.s32 v6, v20;
	[tilespmem:s26+$0x20] =	vst v63  }
0x18b: {  	v21 =	vadd.s32 v6, v52;
	[tilespmem:s26+$0x30] =	vst v20  }
0x18c: {  	v22 =	vadd.s32 v6, v53;
	[tilespmem:s26+$0xFFFFFF80] =	vst v21  }
0x18d: {  	v23 =	vadd.s32 v6, v54;
	[tilespmem:s26+$0xFFFFFF90] =	vst v22  }
0x18e: {  	v24 =	vadd.s32 v6, v55;
	[tilespmem:s26+$0xFFFFFFA0] =	vst v23  }
0x18f: {  	v21 =	vadd.s32 v6, v56;
	[tilespmem:s26+$0xFFFFFFB0] =	vst v24  }
0x190: {  	v22 =	vadd.s32 v6, v57;
	[tilespmem:s26+$0xFFFFFFC0] =	vst v21  }
0x191: {  	v23 =	vadd.s32 v6, v58;
	[tilespmem:s26+$0xFFFFFFD0] =	vst v22  }
0x192: {  	v24 =	vadd.s32 v6, v59;
	[tilespmem:s26+$0xFFFFFFE0] =	vst v23  }
0x193: {  	v21 =	vadd.s32 v6, v60;
	[tilespmem:s26+$0xFFFFFFF0] =	vst v24  }
0x194: {  	s28 =	rddreg [dreg:$0xb];
	v22 =	vadd.s32 v6, v61;
	[tilespmem:s26+$0x0] =	vst v21  }
0x195: {  	s3 =	simm.s32 $0x0;
	s29 =	simm.s32 $0xE00;
	s1 =	simm.s32 $0x2;
	[tilespmem:s26+$0x10] =	vst v22  }
0x196: {  	[hbm4b:s28+s3] =	stream.linear.scatter [tilespmem:s29], [sflag:$0x2], $0x6000, $0x38;
	[tilespmem:$0x6E00] =	vst v63  }
0x197: {  	_ =	swait.ge [sflag:s1], $0x6000  }
0x198: {  	s30 =	rddreg [dreg:$0xd]  }
0x199: {  	s31 =	rddreg [dreg:$0xc];
	s2 =	sadd.s32 $0x1, s30  }
0x19a: {  	p0 =	sne.s32 s2, s31  }
.Ltmp1:
0x19b: {  	_ = 	snop;
	(pc) =	sbr.rel @p0 .LBB2_1-.Ltmp1, $3  }
0x19c: {  	_ =	sdelay $0x1  }
0x19d: {  	[sflag:s1] =	ssyncset.done $0x0  }
0x19e: {  	s10 =	simm.s32 $0x800;
	[sflag:s1] =	ssyncadd.s32 $0xFFFFA000  }
0x19f: {  	_ =	sfence.sel $0x180000  }
0x1a0: {  	[bflag:$0x0] =	sbarrier.arrive $0xFFFF  }
0x1a1: {  	_ =	strace $0x90000047  }
0x1a2: {  	s0 =	stileid.u32;
	[bflag:$0x2] =	sbarrier.arrive $0xFFFF  }
0x1a3: {  	p0 =	sne.s32 s0, $0x0;
	s0 =	rddreg [dreg:$0x3]  }
0x1a4: {  	s0 =	sadd.s32 @!p0 $0x100000, s0  }
0x1a5: {  	[sflag:s0] =	ssyncadd.tile.s32 @!p0 $0x1;
	_ =	shalt  }
.Lfunc_end2:
_tile_overlayer_lowered:
.L_overlay_start_2:
0x1a6: {  	(tag) =	ssettag $0x2  }
0x1a7: {  	s0 =	rddreg [dreg:$0x0];
	s2 =	stileid.u32  }
0x1a8: {  	s1 =	rddreg [dreg:$0x1];
	p0 =	sne.s32 s2, $0x0  }
0x1a9: {  	s3 =	rddreg [dreg:$0x2];
	[bflag:$0x3] =	sbarrier.arrive $0xFFFF;
	s2 =	simm.s32 @!p0 $0x1C02  }
0x1aa: {  	[timem:s3], [sflag:s2] =	dma.local @!p0 [hbm:s0], s1  }
0x1ab: {  	s0 =	simm.s32 @!p0 $0x2  }
0x1ac: {  	_ =	swait.ge @!p0 [sflag:s0], s1  }
0x1ad: {  	s1 =	ssub.s32 @!p0 $0x0, s1;
	[sflag:s0] =	ssyncset.done @!p0 $0x0  }
0x1ae: {  	[sflag:s0] =	ssyncadd.s32 @!p0 s1  }
0x1af: {  	[bflag:$0x3] =	sbarrier.arrive $0xFFFF  }
0x1b0: {  	_ =	shalt  }

// kernel: kernel.8.cloned.1.call-start
scs
__scs_entry_jumppad:
0x0: {  	(pc) =	sbr.rel $0x88, $3  }
0x1: {  	(tag) =	ssettag $0x0;
	lr =	simm.s32 $0x1  }
0x2: {  	[smem:$0x3F9E] =	sst lr;
	_ =	strace $0xD0000000  }
0x3: {  	_ = 	snop  }
0x4: {  	_ = 	snop  }
0x5: {  	_ = 	snop  }
0x6: {  	_ = 	snop  }
0x7: {  	_ = 	snop  }
__scs_overlays_trampoline_lowered:
0x8: {  	[smem:$0x3FAD] =	sst s0  }
0x9: {  	[smem:$0x3FAE] =	sst s1  }
0xa: {  	[smem:$0x3FAF] =	sst s2  }
0xb: {  	[smem:$0x3FB0] =	sst s3  }
0xc: {  	[smem:$0x3FB1] =	sst s4  }
0xd: {  	[smem:$0x3FB2] =	sst s5  }
0xe: {  	[smem:$0x3FB3] =	sst s6  }
0xf: {  	[smem:$0x3FB4] =	sst s7  }
0x10: {  	[smem:$0x3FB5] =	sst s8  }
0x11: {  	[smem:$0x3FB6] =	sst s9;
	s0 =	simm.s32 @!p0 $0x0  }
0x12: {  	s1 =	sld [smem:$0x3F9C];
	s0 =	simm.s32 @p0 $0x1  }
0x13: {  	[smem:$0x3FB7] =	sst s0;
	s0 =	simm.s32 @!p1 $0x0  }
0x14: {  	s2 =	sld [smem:$0x3F9B];
	s0 =	simm.s32 @p1 $0x1  }
0x15: {  	[smem:$0x3FB8] =	sst s0;
	s0 =	simm.s32 @!p2 $0x0  }
0x16: {  	s3 =	sld [smem:$0x3FDB];
	s0 =	simm.s32 @p2 $0x1  }
0x17: {  	s4 =	simm.s32 $0x1BF5;
	[smem:$0x3FBA] =	sst s0  }
0x18: {  	s0 =	sld [smem:$0x3F9D];
	_ =	swait.ge [sflag:s4], $0x0  }
0x19: {  	s7 =	sld [smem:$0x3F9E]  }
0x1a: {  	s8 =	sadd.s32 $0xFFFFE003, lr  }
0x1b: {  	s9 =	sadd.s32 $0xFFFFFEF7, lr;
	s5 =	simm.s32 $0xFFFFFFFF;
	p2 =	slt.u32 s8, $0xFFFFF086  }
0x1c: {  	p1 =	slt.u32 s9, $0xF7A;
	s5 =	simm.s32 @!p2 $0x0  }
0x1d: {  	s5 =	simm.s32 @p1 $0x1;
	p0 =	seq.s32 s7, s2  }
0x1e: {  	s7 =	smul.u32 @!p0 $0xF7A, s2;
	p2 =	seq.s32 @!p0 s5, $0x0  }
0x1f: {  	s9 =	smul.u32 $0xF7A, s1;
	s8 =	simm.s32 @!p0 $0x1BF5;
	p2 =	por !p2, p0  }
0x20: {  	[sflag:s8] =	ssyncset.s32 @!p0 $0xFFFFF086;
	s6 =	sadd.s32 @!p0 s3, s7;
	s7 =	simm.s32 @!p0 $0x108  }
0x21: {  	s3 =	sadd.s32 s3, s9;
	s6 =	sadd.s32 @!p0 $0x88, s6;
	s7 =	simm.s32 @p2 $0x1082  }
0x22: {  	[simem:s7], [sflag:s8] =	dma.local @!p0 [hbm:s6], $0xF7A  }
0x23: {  	s9 =	sor.u32 $0xD0000000, s2;
	s6 =	simm.s32 $0x108;
	_ =	swait.ge @!p0 [sflag:s8], $0x0  }
0x24: {  	s3 =	sadd.s32 $0x88, s3;
	s6 =	simm.s32 @!p1 $0x1082;
	[sflag:s4] =	ssyncset.s32 $0xFFFFF086  }
0x25: {  	[simem:s6], [sflag:s4] =	dma.local [hbm:s3], $0xF7A  }
0x26: {  	[smem:$0x3F9E] =	sst s1;
	(tag) =	ssettag s2;
	_ =	strace s9  }
0x27: {  	s1 =	sld [smem:$0x3FAE]  }
0x28: {  	s2 =	sld [smem:$0x3FAF]  }
0x29: {  	s4 =	sld [smem:$0x3FB1]  }
0x2a: {  	p0 =	seq.s32 s5, $0x0;
	s5 =	sld [smem:$0x3FB2]  }
0x2b: {  	s6 =	sld [smem:$0x3FB3]  }
0x2c: {  	s7 =	sld [smem:$0x3FB4]  }
0x2d: {  	s3 =	simm.s32 $0x108;
	s8 =	sld [smem:$0x3FB5]  }
0x2e: {  	s3 =	simm.s32 @!p0 $0x1082;
	s9 =	sld [smem:$0x3FB6]  }
0x2f: {  	lr =	sadd.s32 s0, s3;
	s0 =	sld [smem:$0x3FAD]  }
0x30: {  	s3 =	sld [smem:$0x3FB0]  }
0x31: {  	[smem:$0x3FB9] =	sst s10  }
0x32: {  	s10 =	sld [smem:$0x3FB7];
	_ =	sdelay $0x3  }
0x33: {  	p0 =	seq.s32 s10, $0x1;
	s10 =	sld [smem:$0x3FB9];
	_ =	sdelay $0x3  }
0x34: {  	[smem:$0x3FB9] =	sst s10  }
0x35: {  	s10 =	sld [smem:$0x3FB8];
	_ =	sdelay $0x3  }
0x36: {  	p1 =	seq.s32 s10, $0x1;
	s10 =	sld [smem:$0x3FB9];
	_ =	sdelay $0x3  }
0x37: {  	[smem:$0x3FB9] =	sst s10  }
0x38: {  	s10 =	sld [smem:$0x3FBA]  }
0x39: {  	_ = 	snop;
	(pc) =	sbr.ind lr, $3  }
0x3a: {  	_ = 	snop  }
0x3b: {  	_ = 	snop  }
0x3c: {  	p2 =	seq.s32 s10, $0x1;
	s10 =	sld [smem:$0x3FB9]  }
0x3d: {  	_ =	shalt  }
0x3e: {  	_ =	shalt  }
0x3f: {  	_ =	shalt  }
0x40: {  	_ =	shalt  }
0x41: {  	_ =	shalt  }
0x42: {  	_ =	shalt  }
0x43: {  	_ =	shalt  }
0x44: {  	_ =	shalt  }
0x45: {  	_ =	shalt  }
0x46: {  	_ =	shalt  }
0x47: {  	_ =	shalt  }
0x48: {  	_ =	shalt  }
0x49: {  	_ =	shalt  }
0x4a: {  	_ =	shalt  }
0x4b: {  	_ =	shalt  }
0x4c: {  	_ =	shalt  }
0x4d: {  	_ =	shalt  }
0x4e: {  	_ =	shalt  }
0x4f: {  	_ =	shalt  }
0x50: {  	_ =	shalt  }
0x51: {  	_ =	shalt  }
0x52: {  	_ =	shalt  }
0x53: {  	_ =	shalt  }
0x54: {  	_ =	shalt  }
0x55: {  	_ =	shalt  }
0x56: {  	_ =	shalt  }
0x57: {  	_ =	shalt  }
0x58: {  	_ =	shalt  }
0x59: {  	_ =	shalt  }
0x5a: {  	_ =	shalt  }
0x5b: {  	_ =	shalt  }
0x5c: {  	_ =	shalt  }
0x5d: {  	_ =	shalt  }
0x5e: {  	_ =	shalt  }
0x5f: {  	_ =	shalt  }
0x60: {  	_ =	shalt  }
0x61: {  	_ =	shalt  }
0x62: {  	_ =	shalt  }
0x63: {  	_ =	shalt  }
0x64: {  	_ =	shalt  }
0x65: {  	_ =	shalt  }
0x66: {  	_ =	shalt  }
0x67: {  	_ =	shalt  }
0x68: {  	_ =	shalt  }
0x69: {  	_ =	shalt  }
0x6a: {  	_ =	shalt  }
0x6b: {  	_ =	shalt  }
0x6c: {  	_ =	shalt  }
0x6d: {  	_ =	shalt  }
0x6e: {  	_ =	shalt  }
0x6f: {  	_ =	shalt  }
0x70: {  	_ =	shalt  }
0x71: {  	_ =	shalt  }
0x72: {  	_ =	shalt  }
0x73: {  	_ =	shalt  }
0x74: {  	_ =	shalt  }
0x75: {  	_ =	shalt  }
0x76: {  	_ =	shalt  }
0x77: {  	_ =	shalt  }
0x78: {  	_ =	shalt  }
0x79: {  	_ =	shalt  }
0x7a: {  	_ =	shalt  }
0x7b: {  	_ =	shalt  }
0x7c: {  	_ =	shalt  }
0x7d: {  	_ =	shalt  }
0x7e: {  	_ =	shalt  }
0x7f: {  	_ =	shalt  }
0x80: {  	_ =	shalt  }
0x81: {  	_ =	shalt  }
0x82: {  	_ =	shalt  }
0x83: {  	_ =	shalt  }
0x84: {  	_ =	shalt  }
0x85: {  	_ =	shalt  }
0x86: {  	_ =	shalt  }
0x87: {  	_ =	shalt  }
.Lfunc_end0:
.L_simem_size_0:
called_computation.1_lowered:
.L_overlay_start_0:
0x88: {  	s2 =	sld [smem:$0x3FD9]  }
0x89: {  	s3 =	sld [smem:$0x3FFE];
	_ =	sdelay $0x1  }
0x8a: {  	s1 =	srdreg.scid  }
0x8b: {  	s0 =	sand.u32 $0x1, s1  }
0x8c: {  	s17 =	sshll.u32 s0, $0xA;
	s2 =	sadd.s32 s3, s2  }
0x8d: {  	s2 =	sadd.s32 s2, s17  }
0x8e: {  	[smem:$0x3FC5] =	sst s2  }
0x8f: {  	_ = 	snop  }
0x90: {  	s2 =	sld [smem:$0x3FD0];
	(tm) =	ssettm $0x1  }
0x91: {  	s18 =	sld [smem:$0x3FFB];
	_ =	sdelay $0x3  }
0x92: {  	_ =	strace s18  }
0x93: {  	s3 =	sld [smem:$0x3FFC];
	_ =	sdelay $0x3  }
0x94: {  	_ =	strace s3  }
0x95: {  	s3 =	sld [smem:$0x3FFD];
	_ =	sdelay $0x3  }
0x96: {  	_ =	strace s3  }
0x97: {  	_ =	strace $0x8FFFFFFF  }
0x98: {  	s19 =	sld [smem:$0x3FDB];
	_ =	sdelay $0x1  }
0x99: {  	s4 =	simm.s32 $_scs_section_size  }
0x9a: {  	s5 =	simm.s32 $_size__tile_overlayer_lowered;
	s6 =	simm.s32 $_tile_overlayer_lowered  }
0x9b: {  	s22 =	simm.s32 $0x1BFF;
	s21 =	sshll.u32 s6, $0x1;
	s3 =	sadd.s32 s4, s19  }
0x9c: {  	s7 =	simm.s32 $0x0;
	s20 =	sshll.u32 s5, $0x1;
	s5 =	sadd.s32 s21, s3  }
0x9d: {  	[timem:s7], [sflag:s22] =	dma.local [hbm:s5], s20  }
0x9e: {  	_ =	swait.ge [sflag:s22], s20  }
0x9f: {  	s4 =	ssub.s32 $0x0, s20;
	[sflag:s22] =	ssyncset.done $0x0  }
0xa0: {  	[sflag:s22] =	ssyncadd.s32 s4;
	_ =	sdelay $0x1  }
0xa1: {  	s23 =	simm.s32 $0x1B8B  }
0xa2: {  	_ =	swait.ge [sflag:s23], $0x1  }
0xa3: {  	[sflag:s23] =	ssyncset.done $0x0  }
0xa4: {  	s25 =	simm.s32 $0x1B8E;
	s24 =	sld [smem:$0x3FFE];
	[sflag:s23] =	ssyncadd.s32 $0xFFFFFFFF  }
0xa5: {  	s26 =	simm.s32 $execute0_lowered;
	[smem:$0x3FD2] =	sst s25  }
0xa6: {  	s5 =	sshll.u32 s26, $0x1;
	_ =	strace $0x80000049;
	[dreg:$0x1] =	wrdreg $0xFFFFFFFF  }
0xa7: {  	s28 =	simm.s32 $_size_execute0_lowered;
	s3 =	sadd.s32 s3, s5;
	[dreg:$0x0] =	wrdreg $0x0  }
0xa8: {  	s5 =	sshll.u32 s28, $0x1;
	[dreg:$0x2] =	wrdreg s3  }
0xa9: {  	[dreg:$0x3] =	wrdreg s5  }
0xaa: {  	[dreg:$0x4] =	wrdreg $0xC0  }
0xab: {  	_ =	task [dreg:s7], $0x5FFFF  }
0xac: {  	[dreg:$0x1] =	wrdreg $0xFFFFFFFF  }
0xad: {  	[dreg:$0x0] =	wrdreg $0x60  }
0xae: {  	[dreg:$0x2] =	wrdreg s24  }
0xaf: {  	[dreg:$0x3] =	wrdreg s2  }
0xb0: {  	[dreg:$0x4] =	wrdreg $0x9  }
0xb1: {  	_ =	task.clear_ibuf [dreg:s7], $0x5FFFF;
	_ =	strace $0x90000049  }
0xb2: {  	s29 =	simm.s32 $0x9;
	_ =	strace $0x8000004B  }
0xb3: {  	_ =	swait.ge [sflag:s29], $0x1  }
0xb4: {  	[sflag:s29] =	ssyncadd.s32 $0xFFFFFFFF  }
0xb5: {  	_ =	strace $0x9000004B  }
0xb6: {  	_ =	sfence  }
0xb7: {  	s30 =	sld [smem:$0x0];
	_ =	sdelay $0x2  }
0xb8: {  	s31 =	sshll.u32 s1, $0xD;
	s1 =	sshrl.u32 s1, $0x2  }
0xb9: {  	s3 =	sand.u32 $0x4000, s31;
	s1 =	sadd.s32 s1, s30  }
0xba: {  	s0 =	sor.u32 s3, s0;
	s1 =	sshll.u32 s1, $0x11  }
0xbb: {  	s0 =	sor.u32 s1, s0  }
0xbc: {  	s0 =	sadd.s32 $0x8F2B, s0  }
0xbd: {  	[sflag:s0] =	ssyncadd.remote.s32 $0x1  }
0xbe: {  	_ =	sfence.sel $0xFFFF  }
0xbf: {  	[dreg:$0x0] =	wrdreg $0xFFFFFFFF;
	(pc) =	sbr.abs _section_cstart, $3  }
0xc0: {  	[dreg:$0x1] =	wrdreg $0xFFFFFFFF  }
0xc1: {  	_ =	task.clear_ibuf [dreg:s7], $0x2FFFF;
	_ =	strace $0x9FFFFFFF  }
0xc2: {  	(tm) =	ssettm $0x7FFFFFFF  }
0xc3: {  	_ =	shalt  }
tec
execute0_lowered:
.L_overlay_start_1:
0x0: {  	(tag) =	ssettag $0x1  }
0x1: {  	s1 =	srdreg.scid;
	s0 =	stileid.u32  }
0x2: {  	s6 =	sand.u32 $0x1, s1;
	s30 =	sshll.u32 s0, $0x1  }
0x3: {  	s5 =	rddreg [dreg:$0x0];
	s1 =	sor.u32 s6, s30  }
0x4: {  	s8 =	rddreg [dreg:$0x1];
	s2 =	simm.s32 $0x0;
	s9 =	smul.u32 $0xC00, s1  }
0x5: {  	[smem:$0x7FF] =	sst s2  }
0x6: {  	s10 =	ssub.s32 $0x2, s6;
	s1 =	rddreg [dreg:$0x2];
	s3 =	sadd.s32 s9, s5  }
0x7: {  	_ =	strace $0x8000004A;
	s4 =	sadd.s32 $0x800, s3;
	s3 =	simm.s32 $0x2  }
0x8: {  	[tilespmem:s2], [sflag:$0x2] =	stream.linear.gather [hbm4b:s4+s2], $0x6000, $0x38;
	[tilespmem:$0xC000] =	vst v63  }
0x9: {  	s7 =	simm.s32 $0x1;
	s11 =	sshrl.u32 s10, $0x1;
	_ =	swait.ge [sflag:s3], $0x6000  }
0xa: {  	s6 =	simm.s32 $0x6000;
	s10 =	ssub.s32 s10, s11;
	[sflag:s3] =	ssyncset.done $0x0  }
0xb: {  	s5 =	sadd.s32 $0x18800, s5;
	s31 =	smax.u32 s10, $0x1;
	[sflag:s3] =	ssyncadd.s32 $0xFFFFA000  }
0xc: {  	[tilespmem:s6], [sflag:$0x1] =	stream.indirect.gather [hbm4b:s5+s6], $0x1, s2, s6, $0xb8;
	[tilespmem:$0xC000] =	vst v63  }
0xd: {  	p0 =	sne.s32 s31, $0x1;
	_ =	swait.ge [sflag:s7], $0x6000  }
.Ltmp0:
0xe: {  	[sflag:s7] =	ssyncset.done $0x0;
	(pc) =	sbr.rel @!p0 .LBB2_2-.Ltmp0, $4  }
0xf: {  	s8 =	sadd.s32 s8, s9;
	[sflag:s7] =	ssyncadd.s32 $0xFFFFA000  }
0x10: {  	[hbm4b:s8+s2] =	stream.linear.scatter [tilespmem:s6], [sflag:$0x2], $0x6000, $0x38;
	[tilespmem:$0xC000] =	vst v63  }
0x11: {  	_ =	swait.ge [sflag:s3], $0x6000  }
0x12: {  	s9 =	sadd.s32 $0xFFFFFFFF, s31;
	[sflag:s3] =	ssyncset.done $0x0  }
.LBB2_1:
0x13: {  	p0 =	sne.s32 s9, $0x1;
	s9 =	sadd.s32 $0xFFFFFFFF, s9;
	[sflag:s3] =	ssyncadd.s32 $0xFFFFA000  }
0x14: {  	[tilespmem:s2], [sflag:$0x2] =	stream.linear.gather [hbm4b:s4+s2], $0x6000, $0x38;
	[tilespmem:$0xC000] =	vst v63  }
0x15: {  	_ =	swait.ge [sflag:s3], $0x6000  }
0x16: {  	[sflag:s3] =	ssyncset.done $0x0  }
0x17: {  	[sflag:s3] =	ssyncadd.s32 $0xFFFFA000  }
0x18: {  	[tilespmem:s6], [sflag:$0x1] =	stream.indirect.gather [hbm4b:s5+s6], $0x1, s2, s6, $0xb8;
	[tilespmem:$0xC000] =	vst v63  }
0x19: {  	_ =	swait.ge [sflag:s7], $0x6000  }
.Ltmp1:
0x1a: {  	[sflag:s7] =	ssyncset.done $0x0;
	(pc) =	sbr.rel @p0 .LBB2_1-.Ltmp1, $4  }
0x1b: {  	[sflag:s7] =	ssyncadd.s32 $0xFFFFA000  }
0x1c: {  	[hbm4b:s8+s2] =	stream.linear.scatter [tilespmem:s6], [sflag:$0x2], $0x6000, $0x38;
	[tilespmem:$0xC000] =	vst v63  }
0x1d: {  	_ =	swait.ge [sflag:s3], $0x6000  }
0x1e: {  	[sflag:s3] =	ssyncset.done $0x0  }
.LBB2_2:
0x1f: {  	[sflag:s3] =	ssyncadd.s32 $0xFFFFA000  }
0x20: {  	_ =	sfence.sel $0x180000  }
0x21: {  	[bflag:$0x0] =	sbarrier.arrive $0xFFFF  }
0x22: {  	p0 =	sne.s32 s0, $0x0;
	_ =	strace $0x9000004A  }
0x23: {  	s0 =	sadd.s32 @!p0 $0x100000, s1;
	[bflag:$0x2] =	sbarrier.arrive $0xFFFF  }
0x24: {  	[sflag:s0] =	ssyncadd.tile.s32 @!p0 $0x1;
	_ =	shalt  }
.Lfunc_end2:
_tile_overlayer_lowered:
.L_overlay_start_2:
0x25: {  	(tag) =	ssettag $0x2  }
0x26: {  	s0 =	rddreg [dreg:$0x0];
	s2 =	stileid.u32  }
0x27: {  	s1 =	rddreg [dreg:$0x1];
	p0 =	sne.s32 s2, $0x0  }
0x28: {  	s3 =	rddreg [dreg:$0x2];
	[bflag:$0x3] =	sbarrier.arrive $0xFFFF;
	s2 =	simm.s32 @!p0 $0x1C02  }
0x29: {  	[timem:s3], [sflag:s2] =	dma.local @!p0 [hbm:s0], s1  }
0x2a: {  	s0 =	simm.s32 @!p0 $0x2  }
0x2b: {  	_ =	swait.ge @!p0 [sflag:s0], s1  }
0x2c: {  	s1 =	ssub.s32 @!p0 $0x0, s1;
	[sflag:s0] =	ssyncset.done @!p0 $0x0  }
0x2d: {  	[sflag:s0] =	ssyncadd.s32 @!p0 s1  }
0x2e: {  	[bflag:$0x3] =	sbarrier.arrive $0xFFFF  }
0x2f: {  	_ =	shalt  }

</sc_bundles>
